<compile_context>
chip_gen: v7x
topology: tpu7x:2x2x1
jax: 0.10.2.dev20260603
libtpu: 0.0.44.dev20260713+nightly
codegen_flags: <defaults>
</compile_context>

<pallas_src>
import functools

import jax
import jax.numpy as jnp
from jax import lax
from jax.experimental import pallas as pl
from jax.experimental.pallas import tpu as pltpu
from jax.experimental.pallas import tpu_sc as plsc

N = 10000
E = 320000
D = 128
EPS = 1e-5

NC = 2
NS = 16
NW = NC * NS
C = 128
K = -(-(E // NW) // C)
EPT = K * C
E_pad = EPT * NW
N_pad = 10112
RPT = N_pad // NS
DEG_W = 128


def _sc_agg_body(h_ref, src_ref, dst_ref, zf_ref, acc_out,
                 acc_sh, src_v, dst_v, rows_v, sem):
    c = lax.axis_index("c")
    s = lax.axis_index("s")
    wid = c * NS + s

    pltpu.sync_copy(zf_ref, acc_sh.at[pl.ds(s * RPT, RPT)])
    pltpu.sync_copy(src_ref.at[wid], src_v)
    pltpu.sync_copy(dst_ref.at[wid], dst_v)
    plsc.subcore_barrier()

    def chunk(j, carry):
        pltpu.async_copy(h_ref.at[src_v.at[j]], rows_v, sem).wait()
        pltpu.async_copy(rows_v, acc_sh.at[dst_v.at[j]], sem, add=True).wait()
        return carry

    lax.fori_loop(0, K, chunk, 0)

    plsc.subcore_barrier()

    pltpu.sync_copy(acc_sh.at[pl.ds(s * RPT, RPT)],
                    acc_out.at[c, pl.ds(s * RPT, RPT)])


def _make_sc_agg():
    mesh = plsc.VectorSubcoreMesh(core_axis_name="c", subcore_axis_name="s")
    return pl.kernel(
        _sc_agg_body,
        out_type=[jax.ShapeDtypeStruct((NC, N_pad, D), jnp.float32)],
        mesh=mesh,
        scratch_types=[
            pltpu.VMEM_SHARED((N_pad, D), jnp.float32),
            pltpu.VMEM((K, C), jnp.int32),
            pltpu.VMEM((K, C), jnp.int32),
            pltpu.VMEM((C, D), jnp.float32),
            pltpu.SemaphoreType.DMA,
        ],
    )


def _sc_deg_body(dst_ref, zd_ref, ones_ref, deg_out,
                 deg_sh, dst_v, ones_v, sem):
    c = lax.axis_index("c")
    s = lax.axis_index("s")
    wid = c * NS + s

    pltpu.sync_copy(zd_ref, deg_sh.at[pl.ds(s * RPT, RPT)])
    pltpu.sync_copy(ones_ref, ones_v)
    pltpu.sync_copy(dst_ref.at[wid], dst_v)
    plsc.subcore_barrier()

    def chunk(j, carry):
        pltpu.async_copy(ones_v, deg_sh.at[dst_v.at[j]], sem, add=True).wait()
        return carry

    lax.fori_loop(0, K, chunk, 0)
    plsc.subcore_barrier()
    pltpu.sync_copy(deg_sh.at[pl.ds(s * RPT, RPT)],
                    deg_out.at[c, pl.ds(s * RPT, RPT)])


def _make_sc_deg():
    mesh = plsc.VectorSubcoreMesh(core_axis_name="c", subcore_axis_name="s")
    return pl.kernel(
        _sc_deg_body,
        out_type=[jax.ShapeDtypeStruct((NC, N_pad, DEG_W), jnp.float32)],
        mesh=mesh,
        scratch_types=[
            pltpu.VMEM_SHARED((N_pad, DEG_W), jnp.float32),
            pltpu.VMEM((K, C), jnp.int32),
            pltpu.VMEM((C, DEG_W), jnp.float32),
            pltpu.SemaphoreType.DMA,
        ],
    )


def _tc_layer_body(relu, h_ref, accA_ref, accB_ref, degA_ref, degB_ref,
                   wlT_ref, bl_ref, wrT_ref, g_ref, be_ref, out_ref):
    mask = lax.broadcasted_iota(jnp.int32, (N_pad, 1), 0) < N
    ssum = accA_ref[:] + accB_ref[:]
    deg = degA_ref[:, 0:1] + degB_ref[:, 0:1]
    agg = ssum / jnp.clip(deg, 1.0, None)
    xr = (jnp.dot(agg, wlT_ref[:], preferred_element_type=jnp.float32)
          + bl_ref[:]
          + jnp.dot(h_ref[:], wrT_ref[:], preferred_element_type=jnp.float32))
    xr_m = jnp.where(mask, xr, 0.0)
    mean = jnp.sum(xr_m, axis=0, keepdims=True) * (1.0 / N)
    d = jnp.where(mask, xr - mean, 0.0)
    var = jnp.sum(d * d, axis=0, keepdims=True) * (1.0 / N)
    y = (xr - mean) * (g_ref[:] * lax.rsqrt(var + EPS)) + be_ref[:]
    if relu:
        y = jnp.maximum(y, 0.0)
    out_ref[:] = jnp.where(mask, y, 0.0)


def _make_tc_layer(relu):
    return pl.pallas_call(
        functools.partial(_tc_layer_body, relu),
        out_shape=jax.ShapeDtypeStruct((N_pad, D), jnp.float32),
    )


@jax.jit
def kernel(x, edge_index, Wl1, bl1, Wr1, g1, be1, Wl2, bl2, Wr2, g2, be2,
           Wl3, bl3, Wr3, g3, be3):
    src = edge_index[0].astype(jnp.int32)
    dst = edge_index[1].astype(jnp.int32)
    pad = E_pad - E
    src_p = jnp.concatenate([src, jnp.full((pad,), N, jnp.int32)]).reshape(NW, K, C)
    dst_p = jnp.concatenate([dst, jnp.full((pad,), N, jnp.int32)]).reshape(NW, K, C)
    x_p = jnp.concatenate([x, jnp.zeros((N_pad - N, D), jnp.float32)], axis=0)

    zf = jnp.zeros((RPT, D), jnp.float32)
    zd = jnp.zeros((RPT, DEG_W), jnp.float32)
    ones_rows = jnp.ones((C, DEG_W), jnp.float32)

    sc_agg = _make_sc_agg()
    sc_deg = _make_sc_deg()

    (degp,) = sc_deg(dst_p, zd, ones_rows)
    degA, degB = degp[0], degp[1]
    (acc1,) = sc_agg(x_p, src_p, dst_p, zf)

    def layer(h, acc, Wl, bl, Wr, g, be, relu):
        return _make_tc_layer(relu)(
            h, acc[0], acc[1], degA, degB,
            Wl.T, bl.reshape(1, D), Wr.T, g.reshape(1, D), be.reshape(1, D))

    h1 = layer(x_p, acc1, Wl1, bl1, Wr1, g1, be1, True)
    (acc2,) = sc_agg(h1, src_p, dst_p, zf)
    h2 = layer(h1, acc2, Wl2, bl2, Wr2, g2, be2, True)
    (acc3,) = sc_agg(h2, src_p, dst_p, zf)
    out = layer(h2, acc3, Wl3, bl3, Wr3, g3, be3, False)
    return out[:N]

# --- scband reference (transcript-rebuilt; emitter-appended) ---
"""Pipeline reference for scband-fdse-graph-sage-61443802137344 (READ-ONLY COPY).

The authoritative reference and input builder live on the scoring server;
editing this copy changes nothing except your own understanding.
"""

import jax, jax.numpy as jnp
import numpy as np

N_NODES = 10000
N_EDGES = 320000
IN_DIM = 128
HID_DIM = 128
OUT_DIM = 128
EPS = 1e-5


def _sage_fdse_layer(x, src, dst, Wl, bl, Wr, gamma, beta, n_nodes):
    # SAGEConv (mean aggregation): lin_l(mean_{j in N(i)} x_j) + lin_r(x_i)
    msgs = jnp.take(x, src, axis=0)
    agg = jax.ops.segment_sum(msgs, dst, num_segments=n_nodes)
    deg = jax.ops.segment_sum(jnp.ones((src.shape[0],), dtype=x.dtype), dst, num_segments=n_nodes)
    agg = agg / jnp.clip(deg, 1.0, None)[:, None]
    x_raw = agg @ Wl.T + bl + x @ Wr.T
    # BatchNorm1d (training-mode batch statistics, affine)
    mean = jnp.mean(x_raw, axis=0)
    var = jnp.var(x_raw, axis=0)
    x_deskewed = (x_raw - mean) / jnp.sqrt(var + EPS) * gamma + beta
    return x_raw, x_deskewed


def setup_inputs(seed: int = 0) -> dict:
    key = jax.random.key(seed)
    ks = jax.random.split(key, 16)
    x = jax.random.normal(ks[0], (N_NODES, IN_DIM), dtype=jnp.float32)
    edge_index = jax.random.randint(ks[1], (2, N_EDGES), 0, N_NODES, dtype=jnp.int64)
    s = 0.05
    inp = {
        "x": x,
        "edge_index": edge_index,
        "Wl1": jax.random.normal(ks[2], (HID_DIM, IN_DIM), dtype=jnp.float32) * s,
        "bl1": jnp.zeros((HID_DIM,), dtype=jnp.float32),
        "Wr1": jax.random.normal(ks[3], (HID_DIM, IN_DIM), dtype=jnp.float32) * s,
        "g1": jnp.ones((HID_DIM,), dtype=jnp.float32),
        "be1": jnp.zeros((HID_DIM,), dtype=jnp.float32),
        "Wl2": jax.random.normal(ks[4], (HID_DIM, HID_DIM), dtype=jnp.float32) * s,
        "bl2": jnp.zeros((HID_DIM,), dtype=jnp.float32),
        "Wr2": jax.random.normal(ks[5], (HID_DIM, HID_DIM), dtype=jnp.float32) * s,
        "g2": jnp.ones((HID_DIM,), dtype=jnp.float32),
        "be2": jnp.zeros((HID_DIM,), dtype=jnp.float32),
        "Wl3": jax.random.normal(ks[6], (OUT_DIM, HID_DIM), dtype=jnp.float32) * s,
        "bl3": jnp.zeros((OUT_DIM,), dtype=jnp.float32),
        "Wr3": jax.random.normal(ks[7], (OUT_DIM, HID_DIM), dtype=jnp.float32) * s,
        "g3": jnp.ones((OUT_DIM,), dtype=jnp.float32),
        "be3": jnp.zeros((OUT_DIM,), dtype=jnp.float32),
    }
    return inp


def reference(x, edge_index, Wl1, bl1, Wr1, g1, be1, Wl2, bl2, Wr2, g2, be2, Wl3, bl3, Wr3, g3, be3):
    src = edge_index[0]
    dst = edge_index[1]
    n = x.shape[0]
    # initial layer
    _, h = _sage_fdse_layer(x, src, dst, Wl1, bl1, Wr1, g1, be1, n)
    h = jax.nn.relu(h)
    # dropout is a no-op in inference/deterministic mode
    # middle layer (num_layers=3 -> 1 middle layer)
    _, h2 = _sage_fdse_layer(h, src, dst, Wl2, bl2, Wr2, g2, be2, n)
    h2 = jax.nn.relu(h2)
    # final layer
    _, out = _sage_fdse_layer(h2, src, dst, Wl3, bl3, Wr3, g3, be3, n)
    return out

if __name__ == "__main__":
    import jax
    _d = setup_inputs()
    print(jax.jit(kernel)(*tuple(_d.values())))

</pallas_src>

<mosaic_0001>
#map = affine_map<(d0, d1) -> (0, 0, 0)>
#map1 = affine_map<(d0, d1) -> (0, 0)>
module attributes {stable_mosaic.version = 14 : i64} {
  func.func @_sc_deg_body(%arg0: i32, %arg1: i32, %arg2: memref<32x79x128xi32, #tpu.memory_space<hbm>>, %arg3: memref<632x128xf32, #tpu.memory_space<hbm>>, %arg4: memref<128x128xf32, #tpu.memory_space<hbm>>, %arg5: memref<2x10112x128xf32, #tpu.memory_space<hbm>>, %arg6: memref<10112x128xf32, #tpu.memory_space<vmem_shared>>, %arg7: memref<79x128xi32, #tpu.memory_space<vmem>>, %arg8: memref<128x128xf32, #tpu.memory_space<vmem>>, %arg9: memref<!tpu.dma_semaphore, #tpu.memory_space<semaphore_mem>>) attributes {dimension_semantics = [#tpu.dimension_semantics<core_parallel>, #tpu.dimension_semantics<subcore_parallel>], iteration_bounds = array<i64: 2, 16>, scalar_prefetch = 0 : i64, scratch_operands = 4 : i64, tpu.core_type = #tpu.core_type<sc_vector_subcore>, window_params = [{transform_indices = #map}, {transform_indices = #map1}, {transform_indices = #map1}, {transform_indices = #map}]} {
    %mul3A = arith.constant 16 : i32
    %mul3A_0 = arith.muli %arg0, %mul3A : i32
    %add3A = arith.addi %mul3A_0, %arg1 : i32
    %mul3A_1 = arith.constant 632 : i32
    %mul3A_2 = arith.muli %arg1, %mul3A_1 : i32
    "tpu.region"() ({
      %run_scoped3A = tpu.sem_alloc : memref<!tpu.dma_semaphore, #tpu.memory_space<semaphore_mem>>
      %dma_start3A = arith.constant 0 : i32
      %dma_start3A_13 = tpu.memref_slice %arg6[%mul3A_2, %dma_start3A] : memref<10112x128xf32, #tpu.memory_space<vmem_shared>> -> memref<632x128xf32, #tpu.memory_space<vmem_shared>>
      tpu.enqueue_dma source(%arg3 : memref<632x128xf32, #tpu.memory_space<hbm>>) target(%dma_start3A_13 : memref<632x128xf32, #tpu.memory_space<vmem_shared>>) target_semaphore(%run_scoped3A : memref<!tpu.dma_semaphore, #tpu.memory_space<semaphore_mem>>)
      %dma_wait3A = arith.constant 0 : i32
      %dma_wait3A_14 = tpu.memref_slice %arg6[%mul3A_2, %dma_wait3A] : memref<10112x128xf32, #tpu.memory_space<vmem_shared>> -> memref<632x128xf32, #tpu.memory_space<vmem_shared>>
      tpu.wait_dma2 semaphore(%run_scoped3A : memref<!tpu.dma_semaphore, #tpu.memory_space<semaphore_mem>>) src(%arg3 : memref<632x128xf32, #tpu.memory_space<hbm>>) dst(%dma_wait3A_14 : memref<632x128xf32, #tpu.memory_space<vmem_shared>>)
      tpu.yield
    }) : () -> ()
    "tpu.region"() ({
      %run_scoped3A = tpu.sem_alloc : memref<!tpu.dma_semaphore, #tpu.memory_space<semaphore_mem>>
      tpu.enqueue_dma source(%arg4 : memref<128x128xf32, #tpu.memory_space<hbm>>) target(%arg8 : memref<128x128xf32, #tpu.memory_space<vmem>>) target_semaphore(%run_scoped3A : memref<!tpu.dma_semaphore, #tpu.memory_space<semaphore_mem>>)
      tpu.wait_dma2 semaphore(%run_scoped3A : memref<!tpu.dma_semaphore, #tpu.memory_space<semaphore_mem>>) src(%arg4 : memref<128x128xf32, #tpu.memory_space<hbm>>) dst(%arg8 : memref<128x128xf32, #tpu.memory_space<vmem>>)
      tpu.yield
    }) : () -> ()
    "tpu.region"() ({
      %run_scoped3A = tpu.sem_alloc : memref<!tpu.dma_semaphore, #tpu.memory_space<semaphore_mem>>
      %dma_start3A = arith.constant 0 : i32
      %dma_start3A_13 = arith.constant 0 : i32
      %dma_start3A_14 = tpu.memref_slice %arg2[%add3A, %dma_start3A, %dma_start3A_13] : memref<32x79x128xi32, #tpu.memory_space<hbm>> -> memref<1x79x128xi32, #tpu.memory_space<hbm>>
      %dma_start3A_15 = tpu.memref_squeeze %dma_start3A_14 : memref<1x79x128xi32, #tpu.memory_space<hbm>> -> memref<79x128xi32, #tpu.memory_space<hbm>>
      %dma_start3A_16 = arith.constant 0 : i32
      %dma_start3A_17 = arith.constant 0 : i32
      %dma_start3A_18 = tpu.memref_slice %arg2[%add3A, %dma_start3A_16, %dma_start3A_17] : memref<32x79x128xi32, #tpu.memory_space<hbm>> -> memref<1x79x128xi32, #tpu.memory_space<hbm>>
      %dma_start3A_19 = tpu.memref_squeeze %dma_start3A_18 : memref<1x79x128xi32, #tpu.memory_space<hbm>> -> memref<79x128xi32, #tpu.memory_space<hbm>>
      tpu.enqueue_dma source(%dma_start3A_19 : memref<79x128xi32, #tpu.memory_space<hbm>>) target(%arg7 : memref<79x128xi32, #tpu.memory_space<vmem>>) target_semaphore(%run_scoped3A : memref<!tpu.dma_semaphore, #tpu.memory_space<semaphore_mem>>)
      %dma_wait3A = arith.constant 0 : i32
      %dma_wait3A_20 = arith.constant 0 : i32
      %dma_wait3A_21 = tpu.memref_slice %arg2[%add3A, %dma_wait3A, %dma_wait3A_20] : memref<32x79x128xi32, #tpu.memory_space<hbm>> -> memref<1x79x128xi32, #tpu.memory_space<hbm>>
      %dma_wait3A_22 = tpu.memref_squeeze %dma_wait3A_21 : memref<1x79x128xi32, #tpu.memory_space<hbm>> -> memref<79x128xi32, #tpu.memory_space<hbm>>
      %dma_wait3A_23 = arith.constant 0 : i32
      %dma_wait3A_24 = arith.constant 0 : i32
      %dma_wait3A_25 = tpu.memref_slice %arg2[%add3A, %dma_wait3A_23, %dma_wait3A_24] : memref<32x79x128xi32, #tpu.memory_space<hbm>> -> memref<1x79x128xi32, #tpu.memory_space<hbm>>
      %dma_wait3A_26 = tpu.memref_squeeze %dma_wait3A_25 : memref<1x79x128xi32, #tpu.memory_space<hbm>> -> memref<79x128xi32, #tpu.memory_space<hbm>>
      tpu.wait_dma2 semaphore(%run_scoped3A : memref<!tpu.dma_semaphore, #tpu.memory_space<semaphore_mem>>) src(%dma_wait3A_26 : memref<79x128xi32, #tpu.memory_space<hbm>>) dst(%arg7 : memref<79x128xi32, #tpu.memory_space<vmem>>)
      tpu.yield
    }) : () -> ()
    %barrier3A = arith.constant 0 : index
    tpu.barrier barrier_id(%barrier3A)
    %scan3A = arith.constant 0 : i32
    %scan3A_3 = arith.constant 0 : i32
    %scan3A_4 = arith.constant 79 : i32
    %scan3A_5 = arith.addi %scan3A_3, %scan3A_4 : i32
    %scan3A_6 = arith.constant 1 : i32
    scf.for %scan3A_13 = %scan3A_3 to %scan3A_5 step %scan3A_6  : i32 {
      %dma_start3A = arith.constant 0 : i32
      %dma_start3A_14 = tpu.memref_slice %arg7[%scan3A_13, %dma_start3A] : memref<79x128xi32, #tpu.memory_space<vmem>> -> memref<1x128xi32, #tpu.memory_space<vmem>>
      %dma_start3A_15 = tpu.memref_squeeze %dma_start3A_14 : memref<1x128xi32, #tpu.memory_space<vmem>> -> memref<128xi32, #tpu.memory_space<vmem>>
      %dma_start3A_16 = arith.constant 0 : i32
      %dma_start3A_17 = arith.constant 0 : i32
      %dma_start3A_18 = tpu.memref_slice %arg6[%dma_start3A_16, %dma_start3A_17] : memref<10112x128xf32, #tpu.memory_space<vmem_shared>> -> memref<10112x128xf32, #tpu.memory_space<vmem_shared>>
      tpu.enqueue_indirect_dma source(%arg8 : memref<128x128xf32, #tpu.memory_space<vmem>>) target(%dma_start3A_18 : memref<10112x128xf32, #tpu.memory_space<vmem_shared>>) offsets(%dma_start3A_15 : memref<128xi32, #tpu.memory_space<vmem>>) semaphore(%arg9 : memref<!tpu.dma_semaphore, #tpu.memory_space<semaphore_mem>>) {add = true}
      %dma_wait3A = arith.constant 0 : i32
      %dma_wait3A_19 = tpu.memref_slice %arg7[%scan3A_13, %dma_wait3A] : memref<79x128xi32, #tpu.memory_space<vmem>> -> memref<1x128xi32, #tpu.memory_space<vmem>>
      %dma_wait3A_20 = tpu.memref_squeeze %dma_wait3A_19 : memref<1x128xi32, #tpu.memory_space<vmem>> -> memref<128xi32, #tpu.memory_space<vmem>>
      %dma_wait3A_21 = arith.constant 0 : i32
      %dma_wait3A_22 = arith.constant 0 : i32
      %dma_wait3A_23 = tpu.memref_slice %arg6[%dma_wait3A_21, %dma_wait3A_22] : memref<10112x128xf32, #tpu.memory_space<vmem_shared>> -> memref<10112x128xf32, #tpu.memory_space<vmem_shared>>
      tpu.wait_indirect_dma semaphore(%arg9 : memref<!tpu.dma_semaphore, #tpu.memory_space<semaphore_mem>>) src(%arg8 : memref<128x128xf32, #tpu.memory_space<vmem>>) dst(%dma_wait3A_23 : memref<10112x128xf32, #tpu.memory_space<vmem_shared>>)
    }
    %scan3A_7 = arith.constant 79 : i32
    %barrier3A_8 = arith.constant 0 : index
    tpu.barrier barrier_id(%barrier3A_8)
    %mul3A_9 = arith.constant 632 : i32
    %mul3A_10 = arith.muli %arg1, %mul3A_9 : i32
    %mul3A_11 = arith.constant 632 : i32
    %mul3A_12 = arith.muli %arg1, %mul3A_11 : i32
    "tpu.region"() ({
      %run_scoped3A = tpu.sem_alloc : memref<!tpu.dma_semaphore, #tpu.memory_space<semaphore_mem>>
      %dma_start3A = arith.constant 0 : i32
      %dma_start3A_13 = tpu.memref_slice %arg5[%arg0, %mul3A_12, %dma_start3A] : memref<2x10112x128xf32, #tpu.memory_space<hbm>> -> memref<1x632x128xf32, #tpu.memory_space<hbm>>
      %dma_start3A_14 = tpu.memref_squeeze %dma_start3A_13 : memref<1x632x128xf32, #tpu.memory_space<hbm>> -> memref<632x128xf32, #tpu.memory_space<hbm>>
      %dma_start3A_15 = arith.constant 0 : i32
      %dma_start3A_16 = tpu.memref_slice %arg6[%mul3A_10, %dma_start3A_15] : memref<10112x128xf32, #tpu.memory_space<vmem_shared>> -> memref<632x128xf32, #tpu.memory_space<vmem_shared>>
      tpu.enqueue_dma source(%dma_start3A_16 : memref<632x128xf32, #tpu.memory_space<vmem_shared>>) target(%dma_start3A_14 : memref<632x128xf32, #tpu.memory_space<hbm>>) target_semaphore(%run_scoped3A : memref<!tpu.dma_semaphore, #tpu.memory_space<semaphore_mem>>)
      %dma_wait3A = arith.constant 0 : i32
      %dma_wait3A_17 = tpu.memref_slice %arg5[%arg0, %mul3A_12, %dma_wait3A] : memref<2x10112x128xf32, #tpu.memory_space<hbm>> -> memref<1x632x128xf32, #tpu.memory_space<hbm>>
      %dma_wait3A_18 = tpu.memref_squeeze %dma_wait3A_17 : memref<1x632x128xf32, #tpu.memory_space<hbm>> -> memref<632x128xf32, #tpu.memory_space<hbm>>
      %dma_wait3A_19 = arith.constant 0 : i32
      %dma_wait3A_20 = tpu.memref_slice %arg6[%mul3A_10, %dma_wait3A_19] : memref<10112x128xf32, #tpu.memory_space<vmem_shared>> -> memref<632x128xf32, #tpu.memory_space<vmem_shared>>
      tpu.wait_dma2 semaphore(%run_scoped3A : memref<!tpu.dma_semaphore, #tpu.memory_space<semaphore_mem>>) src(%dma_wait3A_20 : memref<632x128xf32, #tpu.memory_space<vmem_shared>>) dst(%dma_wait3A_18 : memref<632x128xf32, #tpu.memory_space<hbm>>)
      tpu.yield
    }) : () -> ()
    return
  }
}

#map = affine_map<(d0, d1) -> (0, 0)>
#map1 = affine_map<(d0, d1) -> (0, 0, 0)>
module attributes {stable_mosaic.version = 14 : i64} {
  func.func @_sc_agg_body(%arg0: i32, %arg1: i32, %arg2: memref<10112x128xf32, #tpu.memory_space<hbm>>, %arg3: memref<32x79x128xi32, #tpu.memory_space<hbm>>, %arg4: memref<32x79x128xi32, #tpu.memory_space<hbm>>, %arg5: memref<632x128xf32, #tpu.memory_space<hbm>>, %arg6: memref<2x10112x128xf32, #tpu.memory_space<hbm>>, %arg7: memref<10112x128xf32, #tpu.memory_space<vmem_shared>>, %arg8: memref<79x128xi32, #tpu.memory_space<vmem>>, %arg9: memref<79x128xi32, #tpu.memory_space<vmem>>, %arg10: memref<128x128xf32, #tpu.memory_space<vmem>>, %arg11: memref<!tpu.dma_semaphore, #tpu.memory_space<semaphore_mem>>) attributes {dimension_semantics = [#tpu.dimension_semantics<core_parallel>, #tpu.dimension_semantics<subcore_parallel>], iteration_bounds = array<i64: 2, 16>, scalar_prefetch = 0 : i64, scratch_operands = 5 : i64, tpu.core_type = #tpu.core_type<sc_vector_subcore>, window_params = [{transform_indices = #map}, {transform_indices = #map1}, {transform_indices = #map1}, {transform_indices = #map}, {transform_indices = #map1}]} {
    %mul3A = arith.constant 16 : i32
    %mul3A_0 = arith.muli %arg0, %mul3A : i32
    %add3A = arith.addi %mul3A_0, %arg1 : i32
    %mul3A_1 = arith.constant 632 : i32
    %mul3A_2 = arith.muli %arg1, %mul3A_1 : i32
    "tpu.region"() ({
      %run_scoped3A = tpu.sem_alloc : memref<!tpu.dma_semaphore, #tpu.memory_space<semaphore_mem>>
      %dma_start3A = arith.constant 0 : i32
      %dma_start3A_13 = tpu.memref_slice %arg7[%mul3A_2, %dma_start3A] : memref<10112x128xf32, #tpu.memory_space<vmem_shared>> -> memref<632x128xf32, #tpu.memory_space<vmem_shared>>
      tpu.enqueue_dma source(%arg5 : memref<632x128xf32, #tpu.memory_space<hbm>>) target(%dma_start3A_13 : memref<632x128xf32, #tpu.memory_space<vmem_shared>>) target_semaphore(%run_scoped3A : memref<!tpu.dma_semaphore, #tpu.memory_space<semaphore_mem>>)
      %dma_wait3A = arith.constant 0 : i32
      %dma_wait3A_14 = tpu.memref_slice %arg7[%mul3A_2, %dma_wait3A] : memref<10112x128xf32, #tpu.memory_space<vmem_shared>> -> memref<632x128xf32, #tpu.memory_space<vmem_shared>>
      tpu.wait_dma2 semaphore(%run_scoped3A : memref<!tpu.dma_semaphore, #tpu.memory_space<semaphore_mem>>) src(%arg5 : memref<632x128xf32, #tpu.memory_space<hbm>>) dst(%dma_wait3A_14 : memref<632x128xf32, #tpu.memory_space<vmem_shared>>)
      tpu.yield
    }) : () -> ()
    "tpu.region"() ({
      %run_scoped3A = tpu.sem_alloc : memref<!tpu.dma_semaphore, #tpu.memory_space<semaphore_mem>>
      %dma_start3A = arith.constant 0 : i32
      %dma_start3A_13 = arith.constant 0 : i32
      %dma_start3A_14 = tpu.memref_slice %arg3[%add3A, %dma_start3A, %dma_start3A_13] : memref<32x79x128xi32, #tpu.memory_space<hbm>> -> memref<1x79x128xi32, #tpu.memory_space<hbm>>
      %dma_start3A_15 = tpu.memref_squeeze %dma_start3A_14 : memref<1x79x128xi32, #tpu.memory_space<hbm>> -> memref<79x128xi32, #tpu.memory_space<hbm>>
      %dma_start3A_16 = arith.constant 0 : i32
      %dma_start3A_17 = arith.constant 0 : i32
      %dma_start3A_18 = tpu.memref_slice %arg3[%add3A, %dma_start3A_16, %dma_start3A_17] : memref<32x79x128xi32, #tpu.memory_space<hbm>> -> memref<1x79x128xi32, #tpu.memory_space<hbm>>
      %dma_start3A_19 = tpu.memref_squeeze %dma_start3A_18 : memref<1x79x128xi32, #tpu.memory_space<hbm>> -> memref<79x128xi32, #tpu.memory_space<hbm>>
      tpu.enqueue_dma source(%dma_start3A_19 : memref<79x128xi32, #tpu.memory_space<hbm>>) target(%arg8 : memref<79x128xi32, #tpu.memory_space<vmem>>) target_semaphore(%run_scoped3A : memref<!tpu.dma_semaphore, #tpu.memory_space<semaphore_mem>>)
      %dma_wait3A = arith.constant 0 : i32
      %dma_wait3A_20 = arith.constant 0 : i32
      %dma_wait3A_21 = tpu.memref_slice %arg3[%add3A, %dma_wait3A, %dma_wait3A_20] : memref<32x79x128xi32, #tpu.memory_space<hbm>> -> memref<1x79x128xi32, #tpu.memory_space<hbm>>
      %dma_wait3A_22 = tpu.memref_squeeze %dma_wait3A_21 : memref<1x79x128xi32, #tpu.memory_space<hbm>> -> memref<79x128xi32, #tpu.memory_space<hbm>>
      %dma_wait3A_23 = arith.constant 0 : i32
      %dma_wait3A_24 = arith.constant 0 : i32
      %dma_wait3A_25 = tpu.memref_slice %arg3[%add3A, %dma_wait3A_23, %dma_wait3A_24] : memref<32x79x128xi32, #tpu.memory_space<hbm>> -> memref<1x79x128xi32, #tpu.memory_space<hbm>>
      %dma_wait3A_26 = tpu.memref_squeeze %dma_wait3A_25 : memref<1x79x128xi32, #tpu.memory_space<hbm>> -> memref<79x128xi32, #tpu.memory_space<hbm>>
      tpu.wait_dma2 semaphore(%run_scoped3A : memref<!tpu.dma_semaphore, #tpu.memory_space<semaphore_mem>>) src(%dma_wait3A_26 : memref<79x128xi32, #tpu.memory_space<hbm>>) dst(%arg8 : memref<79x128xi32, #tpu.memory_space<vmem>>)
      tpu.yield
    }) : () -> ()
    "tpu.region"() ({
      %run_scoped3A = tpu.sem_alloc : memref<!tpu.dma_semaphore, #tpu.memory_space<semaphore_mem>>
      %dma_start3A = arith.constant 0 : i32
      %dma_start3A_13 = arith.constant 0 : i32
      %dma_start3A_14 = tpu.memref_slice %arg4[%add3A, %dma_start3A, %dma_start3A_13] : memref<32x79x128xi32, #tpu.memory_space<hbm>> -> memref<1x79x128xi32, #tpu.memory_space<hbm>>
      %dma_start3A_15 = tpu.memref_squeeze %dma_start3A_14 : memref<1x79x128xi32, #tpu.memory_space<hbm>> -> memref<79x128xi32, #tpu.memory_space<hbm>>
      %dma_start3A_16 = arith.constant 0 : i32
      %dma_start3A_17 = arith.constant 0 : i32
      %dma_start3A_18 = tpu.memref_slice %arg4[%add3A, %dma_start3A_16, %dma_start3A_17] : memref<32x79x128xi32, #tpu.memory_space<hbm>> -> memref<1x79x128xi32, #tpu.memory_space<hbm>>
      %dma_start3A_19 = tpu.memref_squeeze %dma_start3A_18 : memref<1x79x128xi32, #tpu.memory_space<hbm>> -> memref<79x128xi32, #tpu.memory_space<hbm>>
      tpu.enqueue_dma source(%dma_start3A_19 : memref<79x128xi32, #tpu.memory_space<hbm>>) target(%arg9 : memref<79x128xi32, #tpu.memory_space<vmem>>) target_semaphore(%run_scoped3A : memref<!tpu.dma_semaphore, #tpu.memory_space<semaphore_mem>>)
      %dma_wait3A = arith.constant 0 : i32
      %dma_wait3A_20 = arith.constant 0 : i32
      %dma_wait3A_21 = tpu.memref_slice %arg4[%add3A, %dma_wait3A, %dma_wait3A_20] : memref<32x79x128xi32, #tpu.memory_space<hbm>> -> memref<1x79x128xi32, #tpu.memory_space<hbm>>
      %dma_wait3A_22 = tpu.memref_squeeze %dma_wait3A_21 : memref<1x79x128xi32, #tpu.memory_space<hbm>> -> memref<79x128xi32, #tpu.memory_space<hbm>>
      %dma_wait3A_23 = arith.constant 0 : i32
      %dma_wait3A_24 = arith.constant 0 : i32
      %dma_wait3A_25 = tpu.memref_slice %arg4[%add3A, %dma_wait3A_23, %dma_wait3A_24] : memref<32x79x128xi32, #tpu.memory_space<hbm>> -> memref<1x79x128xi32, #tpu.memory_space<hbm>>
      %dma_wait3A_26 = tpu.memref_squeeze %dma_wait3A_25 : memref<1x79x128xi32, #tpu.memory_space<hbm>> -> memref<79x128xi32, #tpu.memory_space<hbm>>
      tpu.wait_dma2 semaphore(%run_scoped3A : memref<!tpu.dma_semaphore, #tpu.memory_space<semaphore_mem>>) src(%dma_wait3A_26 : memref<79x128xi32, #tpu.memory_space<hbm>>) dst(%arg9 : memref<79x128xi32, #tpu.memory_space<vmem>>)
      tpu.yield
    }) : () -> ()
    %barrier3A = arith.constant 0 : index
    tpu.barrier barrier_id(%barrier3A)
    %scan3A = arith.constant 0 : i32
    %scan3A_3 = arith.constant 0 : i32
    %scan3A_4 = arith.constant 79 : i32
    %scan3A_5 = arith.addi %scan3A_3, %scan3A_4 : i32
    %scan3A_6 = arith.constant 1 : i32
    scf.for %scan3A_13 = %scan3A_3 to %scan3A_5 step %scan3A_6  : i32 {
      %dma_start3A = arith.constant 0 : i32
      %dma_start3A_14 = tpu.memref_slice %arg8[%scan3A_13, %dma_start3A] : memref<79x128xi32, #tpu.memory_space<vmem>> -> memref<1x128xi32, #tpu.memory_space<vmem>>
      %dma_start3A_15 = tpu.memref_squeeze %dma_start3A_14 : memref<1x128xi32, #tpu.memory_space<vmem>> -> memref<128xi32, #tpu.memory_space<vmem>>
      %dma_start3A_16 = arith.constant 0 : i32
      %dma_start3A_17 = arith.constant 0 : i32
      %dma_start3A_18 = tpu.memref_slice %arg2[%dma_start3A_16, %dma_start3A_17] : memref<10112x128xf32, #tpu.memory_space<hbm>> -> memref<10112x128xf32, #tpu.memory_space<hbm>>
      tpu.enqueue_indirect_dma source(%dma_start3A_18 : memref<10112x128xf32, #tpu.memory_space<hbm>>) target(%arg10 : memref<128x128xf32, #tpu.memory_space<vmem>>) offsets(%dma_start3A_15 : memref<128xi32, #tpu.memory_space<vmem>>) semaphore(%arg11 : memref<!tpu.dma_semaphore, #tpu.memory_space<semaphore_mem>>)
      %dma_wait3A = arith.constant 0 : i32
      %dma_wait3A_19 = tpu.memref_slice %arg8[%scan3A_13, %dma_wait3A] : memref<79x128xi32, #tpu.memory_space<vmem>> -> memref<1x128xi32, #tpu.memory_space<vmem>>
      %dma_wait3A_20 = tpu.memref_squeeze %dma_wait3A_19 : memref<1x128xi32, #tpu.memory_space<vmem>> -> memref<128xi32, #tpu.memory_space<vmem>>
      %dma_wait3A_21 = arith.constant 0 : i32
      %dma_wait3A_22 = arith.constant 0 : i32
      %dma_wait3A_23 = tpu.memref_slice %arg2[%dma_wait3A_21, %dma_wait3A_22] : memref<10112x128xf32, #tpu.memory_space<hbm>> -> memref<10112x128xf32, #tpu.memory_space<hbm>>
      tpu.wait_indirect_dma semaphore(%arg11 : memref<!tpu.dma_semaphore, #tpu.memory_space<semaphore_mem>>) src(%dma_wait3A_23 : memref<10112x128xf32, #tpu.memory_space<hbm>>) dst(%arg10 : memref<128x128xf32, #tpu.memory_space<vmem>>)
      %dma_start3A_24 = arith.constant 0 : i32
      %dma_start3A_25 = tpu.memref_slice %arg9[%scan3A_13, %dma_start3A_24] : memref<79x128xi32, #tpu.memory_space<vmem>> -> memref<1x128xi32, #tpu.memory_space<vmem>>
      %dma_start3A_26 = tpu.memref_squeeze %dma_start3A_25 : memref<1x128xi32, #tpu.memory_space<vmem>> -> memref<128xi32, #tpu.memory_space<vmem>>
      %dma_start3A_27 = arith.constant 0 : i32
      %dma_start3A_28 = arith.constant 0 : i32
      %dma_start3A_29 = tpu.memref_slice %arg7[%dma_start3A_27, %dma_start3A_28] : memref<10112x128xf32, #tpu.memory_space<vmem_shared>> -> memref<10112x128xf32, #tpu.memory_space<vmem_shared>>
      tpu.enqueue_indirect_dma source(%arg10 : memref<128x128xf32, #tpu.memory_space<vmem>>) target(%dma_start3A_29 : memref<10112x128xf32, #tpu.memory_space<vmem_shared>>) offsets(%dma_start3A_26 : memref<128xi32, #tpu.memory_space<vmem>>) semaphore(%arg11 : memref<!tpu.dma_semaphore, #tpu.memory_space<semaphore_mem>>) {add = true}
      %dma_wait3A_30 = arith.constant 0 : i32
      %dma_wait3A_31 = tpu.memref_slice %arg9[%scan3A_13, %dma_wait3A_30] : memref<79x128xi32, #tpu.memory_space<vmem>> -> memref<1x128xi32, #tpu.memory_space<vmem>>
      %dma_wait3A_32 = tpu.memref_squeeze %dma_wait3A_31 : memref<1x128xi32, #tpu.memory_space<vmem>> -> memref<128xi32, #tpu.memory_space<vmem>>
      %dma_wait3A_33 = arith.constant 0 : i32
      %dma_wait3A_34 = arith.constant 0 : i32
      %dma_wait3A_35 = tpu.memref_slice %arg7[%dma_wait3A_33, %dma_wait3A_34] : memref<10112x128xf32, #tpu.memory_space<vmem_shared>> -> memref<10112x128xf32, #tpu.memory_space<vmem_shared>>
      tpu.wait_indirect_dma semaphore(%arg11 : memref<!tpu.dma_semaphore, #tpu.memory_space<semaphore_mem>>) src(%arg10 : memref<128x128xf32, #tpu.memory_space<vmem>>) dst(%dma_wait3A_35 : memref<10112x128xf32, #tpu.memory_space<vmem_shared>>)
    }
    %scan3A_7 = arith.constant 79 : i32
    %barrier3A_8 = arith.constant 0 : index
    tpu.barrier barrier_id(%barrier3A_8)
    %mul3A_9 = arith.constant 632 : i32
    %mul3A_10 = arith.muli %arg1, %mul3A_9 : i32
    %mul3A_11 = arith.constant 632 : i32
    %mul3A_12 = arith.muli %arg1, %mul3A_11 : i32
    "tpu.region"() ({
      %run_scoped3A = tpu.sem_alloc : memref<!tpu.dma_semaphore, #tpu.memory_space<semaphore_mem>>
      %dma_start3A = arith.constant 0 : i32
      %dma_start3A_13 = tpu.memref_slice %arg6[%arg0, %mul3A_12, %dma_start3A] : memref<2x10112x128xf32, #tpu.memory_space<hbm>> -> memref<1x632x128xf32, #tpu.memory_space<hbm>>
      %dma_start3A_14 = tpu.memref_squeeze %dma_start3A_13 : memref<1x632x128xf32, #tpu.memory_space<hbm>> -> memref<632x128xf32, #tpu.memory_space<hbm>>
      %dma_start3A_15 = arith.constant 0 : i32
      %dma_start3A_16 = tpu.memref_slice %arg7[%mul3A_10, %dma_start3A_15] : memref<10112x128xf32, #tpu.memory_space<vmem_shared>> -> memref<632x128xf32, #tpu.memory_space<vmem_shared>>
      tpu.enqueue_dma source(%dma_start3A_16 : memref<632x128xf32, #tpu.memory_space<vmem_shared>>) target(%dma_start3A_14 : memref<632x128xf32, #tpu.memory_space<hbm>>) target_semaphore(%run_scoped3A : memref<!tpu.dma_semaphore, #tpu.memory_space<semaphore_mem>>)
      %dma_wait3A = arith.constant 0 : i32
      %dma_wait3A_17 = tpu.memref_slice %arg6[%arg0, %mul3A_12, %dma_wait3A] : memref<2x10112x128xf32, #tpu.memory_space<hbm>> -> memref<1x632x128xf32, #tpu.memory_space<hbm>>
      %dma_wait3A_18 = tpu.memref_squeeze %dma_wait3A_17 : memref<1x632x128xf32, #tpu.memory_space<hbm>> -> memref<632x128xf32, #tpu.memory_space<hbm>>
      %dma_wait3A_19 = arith.constant 0 : i32
      %dma_wait3A_20 = tpu.memref_slice %arg7[%mul3A_10, %dma_wait3A_19] : memref<10112x128xf32, #tpu.memory_space<vmem_shared>> -> memref<632x128xf32, #tpu.memory_space<vmem_shared>>
      tpu.wait_dma2 semaphore(%run_scoped3A : memref<!tpu.dma_semaphore, #tpu.memory_space<semaphore_mem>>) src(%dma_wait3A_20 : memref<632x128xf32, #tpu.memory_space<vmem_shared>>) dst(%dma_wait3A_18 : memref<632x128xf32, #tpu.memory_space<hbm>>)
      tpu.yield
    }) : () -> ()
    return
  }
}

#map = affine_map<(d0, d1) -> (0, 0)>
#map1 = affine_map<(d0, d1) -> (0, 0, 0)>
module attributes {stable_mosaic.version = 14 : i64} {
  func.func @_sc_agg_body(%arg0: i32, %arg1: i32, %arg2: memref<10112x128xf32, #tpu.memory_space<hbm>>, %arg3: memref<32x79x128xi32, #tpu.memory_space<hbm>>, %arg4: memref<32x79x128xi32, #tpu.memory_space<hbm>>, %arg5: memref<632x128xf32, #tpu.memory_space<hbm>>, %arg6: memref<2x10112x128xf32, #tpu.memory_space<hbm>>, %arg7: memref<10112x128xf32, #tpu.memory_space<vmem_shared>>, %arg8: memref<79x128xi32, #tpu.memory_space<vmem>>, %arg9: memref<79x128xi32, #tpu.memory_space<vmem>>, %arg10: memref<128x128xf32, #tpu.memory_space<vmem>>, %arg11: memref<!tpu.dma_semaphore, #tpu.memory_space<semaphore_mem>>) attributes {dimension_semantics = [#tpu.dimension_semantics<core_parallel>, #tpu.dimension_semantics<subcore_parallel>], iteration_bounds = array<i64: 2, 16>, scalar_prefetch = 0 : i64, scratch_operands = 5 : i64, tpu.core_type = #tpu.core_type<sc_vector_subcore>, window_params = [{transform_indices = #map}, {transform_indices = #map1}, {transform_indices = #map1}, {transform_indices = #map}, {transform_indices = #map1}]} {
    %mul3A = arith.constant 16 : i32
    %mul3A_0 = arith.muli %arg0, %mul3A : i32
    %add3A = arith.addi %mul3A_0, %arg1 : i32
    %mul3A_1 = arith.constant 632 : i32
    %mul3A_2 = arith.muli %arg1, %mul3A_1 : i32
    "tpu.region"() ({
      %run_scoped3A = tpu.sem_alloc : memref<!tpu.dma_semaphore, #tpu.memory_space<semaphore_mem>>
      %dma_start3A = arith.constant 0 : i32
      %dma_start3A_13 = tpu.memref_slice %arg7[%mul3A_2, %dma_start3A] : memref<10112x128xf32, #tpu.memory_space<vmem_shared>> -> memref<632x128xf32, #tpu.memory_space<vmem_shared>>
      tpu.enqueue_dma source(%arg5 : memref<632x128xf32, #tpu.memory_space<hbm>>) target(%dma_start3A_13 : memref<632x128xf32, #tpu.memory_space<vmem_shared>>) target_semaphore(%run_scoped3A : memref<!tpu.dma_semaphore, #tpu.memory_space<semaphore_mem>>)
      %dma_wait3A = arith.constant 0 : i32
      %dma_wait3A_14 = tpu.memref_slice %arg7[%mul3A_2, %dma_wait3A] : memref<10112x128xf32, #tpu.memory_space<vmem_shared>> -> memref<632x128xf32, #tpu.memory_space<vmem_shared>>
      tpu.wait_dma2 semaphore(%run_scoped3A : memref<!tpu.dma_semaphore, #tpu.memory_space<semaphore_mem>>) src(%arg5 : memref<632x128xf32, #tpu.memory_space<hbm>>) dst(%dma_wait3A_14 : memref<632x128xf32, #tpu.memory_space<vmem_shared>>)
      tpu.yield
    }) : () -> ()
    "tpu.region"() ({
      %run_scoped3A = tpu.sem_alloc : memref<!tpu.dma_semaphore, #tpu.memory_space<semaphore_mem>>
      %dma_start3A = arith.constant 0 : i32
      %dma_start3A_13 = arith.constant 0 : i32
      %dma_start3A_14 = tpu.memref_slice %arg3[%add3A, %dma_start3A, %dma_start3A_13] : memref<32x79x128xi32, #tpu.memory_space<hbm>> -> memref<1x79x128xi32, #tpu.memory_space<hbm>>
      %dma_start3A_15 = tpu.memref_squeeze %dma_start3A_14 : memref<1x79x128xi32, #tpu.memory_space<hbm>> -> memref<79x128xi32, #tpu.memory_space<hbm>>
      %dma_start3A_16 = arith.constant 0 : i32
      %dma_start3A_17 = arith.constant 0 : i32
      %dma_start3A_18 = tpu.memref_slice %arg3[%add3A, %dma_start3A_16, %dma_start3A_17] : memref<32x79x128xi32, #tpu.memory_space<hbm>> -> memref<1x79x128xi32, #tpu.memory_space<hbm>>
      %dma_start3A_19 = tpu.memref_squeeze %dma_start3A_18 : memref<1x79x128xi32, #tpu.memory_space<hbm>> -> memref<79x128xi32, #tpu.memory_space<hbm>>
      tpu.enqueue_dma source(%dma_start3A_19 : memref<79x128xi32, #tpu.memory_space<hbm>>) target(%arg8 : memref<79x128xi32, #tpu.memory_space<vmem>>) target_semaphore(%run_scoped3A : memref<!tpu.dma_semaphore, #tpu.memory_space<semaphore_mem>>)
      %dma_wait3A = arith.constant 0 : i32
      %dma_wait3A_20 = arith.constant 0 : i32
      %dma_wait3A_21 = tpu.memref_slice %arg3[%add3A, %dma_wait3A, %dma_wait3A_20] : memref<32x79x128xi32, #tpu.memory_space<hbm>> -> memref<1x79x128xi32, #tpu.memory_space<hbm>>
      %dma_wait3A_22 = tpu.memref_squeeze %dma_wait3A_21 : memref<1x79x128xi32, #tpu.memory_space<hbm>> -> memref<79x128xi32, #tpu.memory_space<hbm>>
      %dma_wait3A_23 = arith.constant 0 : i32
      %dma_wait3A_24 = arith.constant 0 : i32
      %dma_wait3A_25 = tpu.memref_slice %arg3[%add3A, %dma_wait3A_23, %dma_wait3A_24] : memref<32x79x128xi32, #tpu.memory_space<hbm>> -> memref<1x79x128xi32, #tpu.memory_space<hbm>>
      %dma_wait3A_26 = tpu.memref_squeeze %dma_wait3A_25 : memref<1x79x128xi32, #tpu.memory_space<hbm>> -> memref<79x128xi32, #tpu.memory_space<hbm>>
      tpu.wait_dma2 semaphore(%run_scoped3A : memref<!tpu.dma_semaphore, #tpu.memory_space<semaphore_mem>>) src(%dma_wait3A_26 : memref<79x128xi32, #tpu.memory_space<hbm>>) dst(%arg8 : memref<79x128xi32, #tpu.memory_space<vmem>>)
      tpu.yield
    }) : () -> ()
    "tpu.region"() ({
      %run_scoped3A = tpu.sem_alloc : memref<!tpu.dma_semaphore, #tpu.memory_space<semaphore_mem>>
      %dma_start3A = arith.constant 0 : i32
      %dma_start3A_13 = arith.constant 0 : i32
      %dma_start3A_14 = tpu.memref_slice %arg4[%add3A, %dma_start3A, %dma_start3A_13] : memref<32x79x128xi32, #tpu.memory_space<hbm>> -> memref<1x79x128xi32, #tpu.memory_space<hbm>>
      %dma_start3A_15 = tpu.memref_squeeze %dma_start3A_14 : memref<1x79x128xi32, #tpu.memory_space<hbm>> -> memref<79x128xi32, #tpu.memory_space<hbm>>
      %dma_start3A_16 = arith.constant 0 : i32
      %dma_start3A_17 = arith.constant 0 : i32
      %dma_start3A_18 = tpu.memref_slice %arg4[%add3A, %dma_start3A_16, %dma_start3A_17] : memref<32x79x128xi32, #tpu.memory_space<hbm>> -> memref<1x79x128xi32, #tpu.memory_space<hbm>>
      %dma_start3A_19 = tpu.memref_squeeze %dma_start3A_18 : memref<1x79x128xi32, #tpu.memory_space<hbm>> -> memref<79x128xi32, #tpu.memory_space<hbm>>
      tpu.enqueue_dma source(%dma_start3A_19 : memref<79x128xi32, #tpu.memory_space<hbm>>) target(%arg9 : memref<79x128xi32, #tpu.memory_space<vmem>>) target_semaphore(%run_scoped3A : memref<!tpu.dma_semaphore, #tpu.memory_space<semaphore_mem>>)
      %dma_wait3A = arith.constant 0 : i32
      %dma_wait3A_20 = arith.constant 0 : i32
      %dma_wait3A_21 = tpu.memref_slice %arg4[%add3A, %dma_wait3A, %dma_wait3A_20] : memref<32x79x128xi32, #tpu.memory_space<hbm>> -> memref<1x79x128xi32, #tpu.memory_space<hbm>>
      %dma_wait3A_22 = tpu.memref_squeeze %dma_wait3A_21 : memref<1x79x128xi32, #tpu.memory_space<hbm>> -> memref<79x128xi32, #tpu.memory_space<hbm>>
      %dma_wait3A_23 = arith.constant 0 : i32
      %dma_wait3A_24 = arith.constant 0 : i32
      %dma_wait3A_25 = tpu.memref_slice %arg4[%add3A, %dma_wait3A_23, %dma_wait3A_24] : memref<32x79x128xi32, #tpu.memory_space<hbm>> -> memref<1x79x128xi32, #tpu.memory_space<hbm>>
      %dma_wait3A_26 = tpu.memref_squeeze %dma_wait3A_25 : memref<1x79x128xi32, #tpu.memory_space<hbm>> -> memref<79x128xi32, #tpu.memory_space<hbm>>
      tpu.wait_dma2 semaphore(%run_scoped3A : memref<!tpu.dma_semaphore, #tpu.memory_space<semaphore_mem>>) src(%dma_wait3A_26 : memref<79x128xi32, #tpu.memory_space<hbm>>) dst(%arg9 : memref<79x128xi32, #tpu.memory_space<vmem>>)
      tpu.yield
    }) : () -> ()
    %barrier3A = arith.constant 0 : index
    tpu.barrier barrier_id(%barrier3A)
    %scan3A = arith.constant 0 : i32
    %scan3A_3 = arith.constant 0 : i32
    %scan3A_4 = arith.constant 79 : i32
    %scan3A_5 = arith.addi %scan3A_3, %scan3A_4 : i32
    %scan3A_6 = arith.constant 1 : i32
    scf.for %scan3A_13 = %scan3A_3 to %scan3A_5 step %scan3A_6  : i32 {
      %dma_start3A = arith.constant 0 : i32
      %dma_start3A_14 = tpu.memref_slice %arg8[%scan3A_13, %dma_start3A] : memref<79x128xi32, #tpu.memory_space<vmem>> -> memref<1x128xi32, #tpu.memory_space<vmem>>
      %dma_start3A_15 = tpu.memref_squeeze %dma_start3A_14 : memref<1x128xi32, #tpu.memory_space<vmem>> -> memref<128xi32, #tpu.memory_space<vmem>>
      %dma_start3A_16 = arith.constant 0 : i32
      %dma_start3A_17 = arith.constant 0 : i32
      %dma_start3A_18 = tpu.memref_slice %arg2[%dma_start3A_16, %dma_start3A_17] : memref<10112x128xf32, #tpu.memory_space<hbm>> -> memref<10112x128xf32, #tpu.memory_space<hbm>>
      tpu.enqueue_indirect_dma source(%dma_start3A_18 : memref<10112x128xf32, #tpu.memory_space<hbm>>) target(%arg10 : memref<128x128xf32, #tpu.memory_space<vmem>>) offsets(%dma_start3A_15 : memref<128xi32, #tpu.memory_space<vmem>>) semaphore(%arg11 : memref<!tpu.dma_semaphore, #tpu.memory_space<semaphore_mem>>)
      %dma_wait3A = arith.constant 0 : i32
      %dma_wait3A_19 = tpu.memref_slice %arg8[%scan3A_13, %dma_wait3A] : memref<79x128xi32, #tpu.memory_space<vmem>> -> memref<1x128xi32, #tpu.memory_space<vmem>>
      %dma_wait3A_20 = tpu.memref_squeeze %dma_wait3A_19 : memref<1x128xi32, #tpu.memory_space<vmem>> -> memref<128xi32, #tpu.memory_space<vmem>>
      %dma_wait3A_21 = arith.constant 0 : i32
      %dma_wait3A_22 = arith.constant 0 : i32
      %dma_wait3A_23 = tpu.memref_slice %arg2[%dma_wait3A_21, %dma_wait3A_22] : memref<10112x128xf32, #tpu.memory_space<hbm>> -> memref<10112x128xf32, #tpu.memory_space<hbm>>
      tpu.wait_indirect_dma semaphore(%arg11 : memref<!tpu.dma_semaphore, #tpu.memory_space<semaphore_mem>>) src(%dma_wait3A_23 : memref<10112x128xf32, #tpu.memory_space<hbm>>) dst(%arg10 : memref<128x128xf32, #tpu.memory_space<vmem>>)
      %dma_start3A_24 = arith.constant 0 : i32
      %dma_start3A_25 = tpu.memref_slice %arg9[%scan3A_13, %dma_start3A_24] : memref<79x128xi32, #tpu.memory_space<vmem>> -> memref<1x128xi32, #tpu.memory_space<vmem>>
      %dma_start3A_26 = tpu.memref_squeeze %dma_start3A_25 : memref<1x128xi32, #tpu.memory_space<vmem>> -> memref<128xi32, #tpu.memory_space<vmem>>
      %dma_start3A_27 = arith.constant 0 : i32
      %dma_start3A_28 = arith.constant 0 : i32
      %dma_start3A_29 = tpu.memref_slice %arg7[%dma_start3A_27, %dma_start3A_28] : memref<10112x128xf32, #tpu.memory_space<vmem_shared>> -> memref<10112x128xf32, #tpu.memory_space<vmem_shared>>
      tpu.enqueue_indirect_dma source(%arg10 : memref<128x128xf32, #tpu.memory_space<vmem>>) target(%dma_start3A_29 : memref<10112x128xf32, #tpu.memory_space<vmem_shared>>) offsets(%dma_start3A_26 : memref<128xi32, #tpu.memory_space<vmem>>) semaphore(%arg11 : memref<!tpu.dma_semaphore, #tpu.memory_space<semaphore_mem>>) {add = true}
      %dma_wait3A_30 = arith.constant 0 : i32
      %dma_wait3A_31 = tpu.memref_slice %arg9[%scan3A_13, %dma_wait3A_30] : memref<79x128xi32, #tpu.memory_space<vmem>> -> memref<1x128xi32, #tpu.memory_space<vmem>>
      %dma_wait3A_32 = tpu.memref_squeeze %dma_wait3A_31 : memref<1x128xi32, #tpu.memory_space<vmem>> -> memref<128xi32, #tpu.memory_space<vmem>>
      %dma_wait3A_33 = arith.constant 0 : i32
      %dma_wait3A_34 = arith.constant 0 : i32
      %dma_wait3A_35 = tpu.memref_slice %arg7[%dma_wait3A_33, %dma_wait3A_34] : memref<10112x128xf32, #tpu.memory_space<vmem_shared>> -> memref<10112x128xf32, #tpu.memory_space<vmem_shared>>
      tpu.wait_indirect_dma semaphore(%arg11 : memref<!tpu.dma_semaphore, #tpu.memory_space<semaphore_mem>>) src(%arg10 : memref<128x128xf32, #tpu.memory_space<vmem>>) dst(%dma_wait3A_35 : memref<10112x128xf32, #tpu.memory_space<vmem_shared>>)
    }
    %scan3A_7 = arith.constant 79 : i32
    %barrier3A_8 = arith.constant 0 : index
    tpu.barrier barrier_id(%barrier3A_8)
    %mul3A_9 = arith.constant 632 : i32
    %mul3A_10 = arith.muli %arg1, %mul3A_9 : i32
    %mul3A_11 = arith.constant 632 : i32
    %mul3A_12 = arith.muli %arg1, %mul3A_11 : i32
    "tpu.region"() ({
      %run_scoped3A = tpu.sem_alloc : memref<!tpu.dma_semaphore, #tpu.memory_space<semaphore_mem>>
      %dma_start3A = arith.constant 0 : i32
      %dma_start3A_13 = tpu.memref_slice %arg6[%arg0, %mul3A_12, %dma_start3A] : memref<2x10112x128xf32, #tpu.memory_space<hbm>> -> memref<1x632x128xf32, #tpu.memory_space<hbm>>
      %dma_start3A_14 = tpu.memref_squeeze %dma_start3A_13 : memref<1x632x128xf32, #tpu.memory_space<hbm>> -> memref<632x128xf32, #tpu.memory_space<hbm>>
      %dma_start3A_15 = arith.constant 0 : i32
      %dma_start3A_16 = tpu.memref_slice %arg7[%mul3A_10, %dma_start3A_15] : memref<10112x128xf32, #tpu.memory_space<vmem_shared>> -> memref<632x128xf32, #tpu.memory_space<vmem_shared>>
      tpu.enqueue_dma source(%dma_start3A_16 : memref<632x128xf32, #tpu.memory_space<vmem_shared>>) target(%dma_start3A_14 : memref<632x128xf32, #tpu.memory_space<hbm>>) target_semaphore(%run_scoped3A : memref<!tpu.dma_semaphore, #tpu.memory_space<semaphore_mem>>)
      %dma_wait3A = arith.constant 0 : i32
      %dma_wait3A_17 = tpu.memref_slice %arg6[%arg0, %mul3A_12, %dma_wait3A] : memref<2x10112x128xf32, #tpu.memory_space<hbm>> -> memref<1x632x128xf32, #tpu.memory_space<hbm>>
      %dma_wait3A_18 = tpu.memref_squeeze %dma_wait3A_17 : memref<1x632x128xf32, #tpu.memory_space<hbm>> -> memref<632x128xf32, #tpu.memory_space<hbm>>
      %dma_wait3A_19 = arith.constant 0 : i32
      %dma_wait3A_20 = tpu.memref_slice %arg7[%mul3A_10, %dma_wait3A_19] : memref<10112x128xf32, #tpu.memory_space<vmem_shared>> -> memref<632x128xf32, #tpu.memory_space<vmem_shared>>
      tpu.wait_dma2 semaphore(%run_scoped3A : memref<!tpu.dma_semaphore, #tpu.memory_space<semaphore_mem>>) src(%dma_wait3A_20 : memref<632x128xf32, #tpu.memory_space<vmem_shared>>) dst(%dma_wait3A_18 : memref<632x128xf32, #tpu.memory_space<hbm>>)
      tpu.yield
    }) : () -> ()
    return
  }
}

#map = affine_map<(d0, d1) -> (0, 0)>
#map1 = affine_map<(d0, d1) -> (0, 0, 0)>
module attributes {stable_mosaic.version = 14 : i64} {
  func.func @_sc_agg_body(%arg0: i32, %arg1: i32, %arg2: memref<10112x128xf32, #tpu.memory_space<hbm>>, %arg3: memref<32x79x128xi32, #tpu.memory_space<hbm>>, %arg4: memref<32x79x128xi32, #tpu.memory_space<hbm>>, %arg5: memref<632x128xf32, #tpu.memory_space<hbm>>, %arg6: memref<2x10112x128xf32, #tpu.memory_space<hbm>>, %arg7: memref<10112x128xf32, #tpu.memory_space<vmem_shared>>, %arg8: memref<79x128xi32, #tpu.memory_space<vmem>>, %arg9: memref<79x128xi32, #tpu.memory_space<vmem>>, %arg10: memref<128x128xf32, #tpu.memory_space<vmem>>, %arg11: memref<!tpu.dma_semaphore, #tpu.memory_space<semaphore_mem>>) attributes {dimension_semantics = [#tpu.dimension_semantics<core_parallel>, #tpu.dimension_semantics<subcore_parallel>], iteration_bounds = array<i64: 2, 16>, scalar_prefetch = 0 : i64, scratch_operands = 5 : i64, tpu.core_type = #tpu.core_type<sc_vector_subcore>, window_params = [{transform_indices = #map}, {transform_indices = #map1}, {transform_indices = #map1}, {transform_indices = #map}, {transform_indices = #map1}]} {
    %mul3A = arith.constant 16 : i32
    %mul3A_0 = arith.muli %arg0, %mul3A : i32
    %add3A = arith.addi %mul3A_0, %arg1 : i32
    %mul3A_1 = arith.constant 632 : i32
    %mul3A_2 = arith.muli %arg1, %mul3A_1 : i32
    "tpu.region"() ({
      %run_scoped3A = tpu.sem_alloc : memref<!tpu.dma_semaphore, #tpu.memory_space<semaphore_mem>>
      %dma_start3A = arith.constant 0 : i32
      %dma_start3A_13 = tpu.memref_slice %arg7[%mul3A_2, %dma_start3A] : memref<10112x128xf32, #tpu.memory_space<vmem_shared>> -> memref<632x128xf32, #tpu.memory_space<vmem_shared>>
      tpu.enqueue_dma source(%arg5 : memref<632x128xf32, #tpu.memory_space<hbm>>) target(%dma_start3A_13 : memref<632x128xf32, #tpu.memory_space<vmem_shared>>) target_semaphore(%run_scoped3A : memref<!tpu.dma_semaphore, #tpu.memory_space<semaphore_mem>>)
      %dma_wait3A = arith.constant 0 : i32
      %dma_wait3A_14 = tpu.memref_slice %arg7[%mul3A_2, %dma_wait3A] : memref<10112x128xf32, #tpu.memory_space<vmem_shared>> -> memref<632x128xf32, #tpu.memory_space<vmem_shared>>
      tpu.wait_dma2 semaphore(%run_scoped3A : memref<!tpu.dma_semaphore, #tpu.memory_space<semaphore_mem>>) src(%arg5 : memref<632x128xf32, #tpu.memory_space<hbm>>) dst(%dma_wait3A_14 : memref<632x128xf32, #tpu.memory_space<vmem_shared>>)
      tpu.yield
    }) : () -> ()
    "tpu.region"() ({
      %run_scoped3A = tpu.sem_alloc : memref<!tpu.dma_semaphore, #tpu.memory_space<semaphore_mem>>
      %dma_start3A = arith.constant 0 : i32
      %dma_start3A_13 = arith.constant 0 : i32
      %dma_start3A_14 = tpu.memref_slice %arg3[%add3A, %dma_start3A, %dma_start3A_13] : memref<32x79x128xi32, #tpu.memory_space<hbm>> -> memref<1x79x128xi32, #tpu.memory_space<hbm>>
      %dma_start3A_15 = tpu.memref_squeeze %dma_start3A_14 : memref<1x79x128xi32, #tpu.memory_space<hbm>> -> memref<79x128xi32, #tpu.memory_space<hbm>>
      %dma_start3A_16 = arith.constant 0 : i32
      %dma_start3A_17 = arith.constant 0 : i32
      %dma_start3A_18 = tpu.memref_slice %arg3[%add3A, %dma_start3A_16, %dma_start3A_17] : memref<32x79x128xi32, #tpu.memory_space<hbm>> -> memref<1x79x128xi32, #tpu.memory_space<hbm>>
      %dma_start3A_19 = tpu.memref_squeeze %dma_start3A_18 : memref<1x79x128xi32, #tpu.memory_space<hbm>> -> memref<79x128xi32, #tpu.memory_space<hbm>>
      tpu.enqueue_dma source(%dma_start3A_19 : memref<79x128xi32, #tpu.memory_space<hbm>>) target(%arg8 : memref<79x128xi32, #tpu.memory_space<vmem>>) target_semaphore(%run_scoped3A : memref<!tpu.dma_semaphore, #tpu.memory_space<semaphore_mem>>)
      %dma_wait3A = arith.constant 0 : i32
      %dma_wait3A_20 = arith.constant 0 : i32
      %dma_wait3A_21 = tpu.memref_slice %arg3[%add3A, %dma_wait3A, %dma_wait3A_20] : memref<32x79x128xi32, #tpu.memory_space<hbm>> -> memref<1x79x128xi32, #tpu.memory_space<hbm>>
      %dma_wait3A_22 = tpu.memref_squeeze %dma_wait3A_21 : memref<1x79x128xi32, #tpu.memory_space<hbm>> -> memref<79x128xi32, #tpu.memory_space<hbm>>
      %dma_wait3A_23 = arith.constant 0 : i32
      %dma_wait3A_24 = arith.constant 0 : i32
      %dma_wait3A_25 = tpu.memref_slice %arg3[%add3A, %dma_wait3A_23, %dma_wait3A_24] : memref<32x79x128xi32, #tpu.memory_space<hbm>> -> memref<1x79x128xi32, #tpu.memory_space<hbm>>
      %dma_wait3A_26 = tpu.memref_squeeze %dma_wait3A_25 : memref<1x79x128xi32, #tpu.memory_space<hbm>> -> memref<79x128xi32, #tpu.memory_space<hbm>>
      tpu.wait_dma2 semaphore(%run_scoped3A : memref<!tpu.dma_semaphore, #tpu.memory_space<semaphore_mem>>) src(%dma_wait3A_26 : memref<79x128xi32, #tpu.memory_space<hbm>>) dst(%arg8 : memref<79x128xi32, #tpu.memory_space<vmem>>)
      tpu.yield
    }) : () -> ()
    "tpu.region"() ({
      %run_scoped3A = tpu.sem_alloc : memref<!tpu.dma_semaphore, #tpu.memory_space<semaphore_mem>>
      %dma_start3A = arith.constant 0 : i32
      %dma_start3A_13 = arith.constant 0 : i32
      %dma_start3A_14 = tpu.memref_slice %arg4[%add3A, %dma_start3A, %dma_start3A_13] : memref<32x79x128xi32, #tpu.memory_space<hbm>> -> memref<1x79x128xi32, #tpu.memory_space<hbm>>
      %dma_start3A_15 = tpu.memref_squeeze %dma_start3A_14 : memref<1x79x128xi32, #tpu.memory_space<hbm>> -> memref<79x128xi32, #tpu.memory_space<hbm>>
      %dma_start3A_16 = arith.constant 0 : i32
      %dma_start3A_17 = arith.constant 0 : i32
      %dma_start3A_18 = tpu.memref_slice %arg4[%add3A, %dma_start3A_16, %dma_start3A_17] : memref<32x79x128xi32, #tpu.memory_space<hbm>> -> memref<1x79x128xi32, #tpu.memory_space<hbm>>
      %dma_start3A_19 = tpu.memref_squeeze %dma_start3A_18 : memref<1x79x128xi32, #tpu.memory_space<hbm>> -> memref<79x128xi32, #tpu.memory_space<hbm>>
      tpu.enqueue_dma source(%dma_start3A_19 : memref<79x128xi32, #tpu.memory_space<hbm>>) target(%arg9 : memref<79x128xi32, #tpu.memory_space<vmem>>) target_semaphore(%run_scoped3A : memref<!tpu.dma_semaphore, #tpu.memory_space<semaphore_mem>>)
      %dma_wait3A = arith.constant 0 : i32
      %dma_wait3A_20 = arith.constant 0 : i32
      %dma_wait3A_21 = tpu.memref_slice %arg4[%add3A, %dma_wait3A, %dma_wait3A_20] : memref<32x79x128xi32, #tpu.memory_space<hbm>> -> memref<1x79x128xi32, #tpu.memory_space<hbm>>
      %dma_wait3A_22 = tpu.memref_squeeze %dma_wait3A_21 : memref<1x79x128xi32, #tpu.memory_space<hbm>> -> memref<79x128xi32, #tpu.memory_space<hbm>>
      %dma_wait3A_23 = arith.constant 0 : i32
      %dma_wait3A_24 = arith.constant 0 : i32
      %dma_wait3A_25 = tpu.memref_slice %arg4[%add3A, %dma_wait3A_23, %dma_wait3A_24] : memref<32x79x128xi32, #tpu.memory_space<hbm>> -> memref<1x79x128xi32, #tpu.memory_space<hbm>>
      %dma_wait3A_26 = tpu.memref_squeeze %dma_wait3A_25 : memref<1x79x128xi32, #tpu.memory_space<hbm>> -> memref<79x128xi32, #tpu.memory_space<hbm>>
      tpu.wait_dma2 semaphore(%run_scoped3A : memref<!tpu.dma_semaphore, #tpu.memory_space<semaphore_mem>>) src(%dma_wait3A_26 : memref<79x128xi32, #tpu.memory_space<hbm>>) dst(%arg9 : memref<79x128xi32, #tpu.memory_space<vmem>>)
      tpu.yield
    }) : () -> ()
    %barrier3A = arith.constant 0 : index
    tpu.barrier barrier_id(%barrier3A)
    %scan3A = arith.constant 0 : i32
    %scan3A_3 = arith.constant 0 : i32
    %scan3A_4 = arith.constant 79 : i32
    %scan3A_5 = arith.addi %scan3A_3, %scan3A_4 : i32
    %scan3A_6 = arith.constant 1 : i32
    scf.for %scan3A_13 = %scan3A_3 to %scan3A_5 step %scan3A_6  : i32 {
      %dma_start3A = arith.constant 0 : i32
      %dma_start3A_14 = tpu.memref_slice %arg8[%scan3A_13, %dma_start3A] : memref<79x128xi32, #tpu.memory_space<vmem>> -> memref<1x128xi32, #tpu.memory_space<vmem>>
      %dma_start3A_15 = tpu.memref_squeeze %dma_start3A_14 : memref<1x128xi32, #tpu.memory_space<vmem>> -> memref<128xi32, #tpu.memory_space<vmem>>
      %dma_start3A_16 = arith.constant 0 : i32
      %dma_start3A_17 = arith.constant 0 : i32
      %dma_start3A_18 = tpu.memref_slice %arg2[%dma_start3A_16, %dma_start3A_17] : memref<10112x128xf32, #tpu.memory_space<hbm>> -> memref<10112x128xf32, #tpu.memory_space<hbm>>
      tpu.enqueue_indirect_dma source(%dma_start3A_18 : memref<10112x128xf32, #tpu.memory_space<hbm>>) target(%arg10 : memref<128x128xf32, #tpu.memory_space<vmem>>) offsets(%dma_start3A_15 : memref<128xi32, #tpu.memory_space<vmem>>) semaphore(%arg11 : memref<!tpu.dma_semaphore, #tpu.memory_space<semaphore_mem>>)
      %dma_wait3A = arith.constant 0 : i32
      %dma_wait3A_19 = tpu.memref_slice %arg8[%scan3A_13, %dma_wait3A] : memref<79x128xi32, #tpu.memory_space<vmem>> -> memref<1x128xi32, #tpu.memory_space<vmem>>
      %dma_wait3A_20 = tpu.memref_squeeze %dma_wait3A_19 : memref<1x128xi32, #tpu.memory_space<vmem>> -> memref<128xi32, #tpu.memory_space<vmem>>
      %dma_wait3A_21 = arith.constant 0 : i32
      %dma_wait3A_22 = arith.constant 0 : i32
      %dma_wait3A_23 = tpu.memref_slice %arg2[%dma_wait3A_21, %dma_wait3A_22] : memref<10112x128xf32, #tpu.memory_space<hbm>> -> memref<10112x128xf32, #tpu.memory_space<hbm>>
      tpu.wait_indirect_dma semaphore(%arg11 : memref<!tpu.dma_semaphore, #tpu.memory_space<semaphore_mem>>) src(%dma_wait3A_23 : memref<10112x128xf32, #tpu.memory_space<hbm>>) dst(%arg10 : memref<128x128xf32, #tpu.memory_space<vmem>>)
      %dma_start3A_24 = arith.constant 0 : i32
      %dma_start3A_25 = tpu.memref_slice %arg9[%scan3A_13, %dma_start3A_24] : memref<79x128xi32, #tpu.memory_space<vmem>> -> memref<1x128xi32, #tpu.memory_space<vmem>>
      %dma_start3A_26 = tpu.memref_squeeze %dma_start3A_25 : memref<1x128xi32, #tpu.memory_space<vmem>> -> memref<128xi32, #tpu.memory_space<vmem>>
      %dma_start3A_27 = arith.constant 0 : i32
      %dma_start3A_28 = arith.constant 0 : i32
      %dma_start3A_29 = tpu.memref_slice %arg7[%dma_start3A_27, %dma_start3A_28] : memref<10112x128xf32, #tpu.memory_space<vmem_shared>> -> memref<10112x128xf32, #tpu.memory_space<vmem_shared>>
      tpu.enqueue_indirect_dma source(%arg10 : memref<128x128xf32, #tpu.memory_space<vmem>>) target(%dma_start3A_29 : memref<10112x128xf32, #tpu.memory_space<vmem_shared>>) offsets(%dma_start3A_26 : memref<128xi32, #tpu.memory_space<vmem>>) semaphore(%arg11 : memref<!tpu.dma_semaphore, #tpu.memory_space<semaphore_mem>>) {add = true}
      %dma_wait3A_30 = arith.constant 0 : i32
      %dma_wait3A_31 = tpu.memref_slice %arg9[%scan3A_13, %dma_wait3A_30] : memref<79x128xi32, #tpu.memory_space<vmem>> -> memref<1x128xi32, #tpu.memory_space<vmem>>
      %dma_wait3A_32 = tpu.memref_squeeze %dma_wait3A_31 : memref<1x128xi32, #tpu.memory_space<vmem>> -> memref<128xi32, #tpu.memory_space<vmem>>
      %dma_wait3A_33 = arith.constant 0 : i32
      %dma_wait3A_34 = arith.constant 0 : i32
      %dma_wait3A_35 = tpu.memref_slice %arg7[%dma_wait3A_33, %dma_wait3A_34] : memref<10112x128xf32, #tpu.memory_space<vmem_shared>> -> memref<10112x128xf32, #tpu.memory_space<vmem_shared>>
      tpu.wait_indirect_dma semaphore(%arg11 : memref<!tpu.dma_semaphore, #tpu.memory_space<semaphore_mem>>) src(%arg10 : memref<128x128xf32, #tpu.memory_space<vmem>>) dst(%dma_wait3A_35 : memref<10112x128xf32, #tpu.memory_space<vmem_shared>>)
    }
    %scan3A_7 = arith.constant 79 : i32
    %barrier3A_8 = arith.constant 0 : index
    tpu.barrier barrier_id(%barrier3A_8)
    %mul3A_9 = arith.constant 632 : i32
    %mul3A_10 = arith.muli %arg1, %mul3A_9 : i32
    %mul3A_11 = arith.constant 632 : i32
    %mul3A_12 = arith.muli %arg1, %mul3A_11 : i32
    "tpu.region"() ({
      %run_scoped3A = tpu.sem_alloc : memref<!tpu.dma_semaphore, #tpu.memory_space<semaphore_mem>>
      %dma_start3A = arith.constant 0 : i32
      %dma_start3A_13 = tpu.memref_slice %arg6[%arg0, %mul3A_12, %dma_start3A] : memref<2x10112x128xf32, #tpu.memory_space<hbm>> -> memref<1x632x128xf32, #tpu.memory_space<hbm>>
      %dma_start3A_14 = tpu.memref_squeeze %dma_start3A_13 : memref<1x632x128xf32, #tpu.memory_space<hbm>> -> memref<632x128xf32, #tpu.memory_space<hbm>>
      %dma_start3A_15 = arith.constant 0 : i32
      %dma_start3A_16 = tpu.memref_slice %arg7[%mul3A_10, %dma_start3A_15] : memref<10112x128xf32, #tpu.memory_space<vmem_shared>> -> memref<632x128xf32, #tpu.memory_space<vmem_shared>>
      tpu.enqueue_dma source(%dma_start3A_16 : memref<632x128xf32, #tpu.memory_space<vmem_shared>>) target(%dma_start3A_14 : memref<632x128xf32, #tpu.memory_space<hbm>>) target_semaphore(%run_scoped3A : memref<!tpu.dma_semaphore, #tpu.memory_space<semaphore_mem>>)
      %dma_wait3A = arith.constant 0 : i32
      %dma_wait3A_17 = tpu.memref_slice %arg6[%arg0, %mul3A_12, %dma_wait3A] : memref<2x10112x128xf32, #tpu.memory_space<hbm>> -> memref<1x632x128xf32, #tpu.memory_space<hbm>>
      %dma_wait3A_18 = tpu.memref_squeeze %dma_wait3A_17 : memref<1x632x128xf32, #tpu.memory_space<hbm>> -> memref<632x128xf32, #tpu.memory_space<hbm>>
      %dma_wait3A_19 = arith.constant 0 : i32
      %dma_wait3A_20 = tpu.memref_slice %arg7[%mul3A_10, %dma_wait3A_19] : memref<10112x128xf32, #tpu.memory_space<vmem_shared>> -> memref<632x128xf32, #tpu.memory_space<vmem_shared>>
      tpu.wait_dma2 semaphore(%run_scoped3A : memref<!tpu.dma_semaphore, #tpu.memory_space<semaphore_mem>>) src(%dma_wait3A_20 : memref<632x128xf32, #tpu.memory_space<vmem_shared>>) dst(%dma_wait3A_18 : memref<632x128xf32, #tpu.memory_space<hbm>>)
      tpu.yield
    }) : () -> ()
    return
  }
}

module attributes {stable_mosaic.version = 14 : i64} {
  func.func @_tc_layer_body(%arg0: memref<10112x128xf32, #tpu.memory_space<vmem>>, %arg1: memref<10112x128xf32, #tpu.memory_space<vmem>>, %arg2: memref<10112x128xf32, #tpu.memory_space<vmem>>, %arg3: memref<10112x128xf32, #tpu.memory_space<vmem>>, %arg4: memref<10112x128xf32, #tpu.memory_space<vmem>>, %arg5: memref<128x128xf32, #tpu.memory_space<vmem>>, %arg6: memref<1x128xf32, #tpu.memory_space<vmem>>, %arg7: memref<128x128xf32, #tpu.memory_space<vmem>>, %arg8: memref<1x128xf32, #tpu.memory_space<vmem>>, %arg9: memref<1x128xf32, #tpu.memory_space<vmem>>, %arg10: memref<10112x128xf32, #tpu.memory_space<vmem>>) attributes {dimension_semantics = [], scalar_prefetch = 0 : i64, scratch_operands = 0 : i64, tpu.core_type = #tpu.core_type<tc>} {
    %iota3A = tpu.iota {dimensions = array<i32: 0>} : vector<10112x1xi32>
    %lt3A = arith.constant 10000 : i32
    %lt3A_0 = vector.broadcast %lt3A : i32 to vector<10112x1xi32>
    %lt3A_1 = arith.cmpi slt, %iota3A, %lt3A_0 : vector<10112x1xi32>
    %get3A = arith.constant 0 : index
    %get3A_2 = arith.constant 0 : index
    %get3A_3 = vector.load %arg1[%get3A, %get3A_2] : memref<10112x128xf32, #tpu.memory_space<vmem>>, vector<10112x128xf32>
    %get3A_4 = arith.constant 0 : index
    %get3A_5 = arith.constant 0 : index
    %get3A_6 = vector.load %arg2[%get3A_4, %get3A_5] : memref<10112x128xf32, #tpu.memory_space<vmem>>, vector<10112x128xf32>
    %add3A = arith.addf %get3A_3, %get3A_6 : vector<10112x128xf32>
    %get3A_7 = arith.constant 0 : index
    %get3A_8 = arith.constant 0 : index
    %get3A_9 = vector.load %arg3[%get3A_7, %get3A_8] : memref<10112x128xf32, #tpu.memory_space<vmem>>, vector<10112x1xf32>
    %get3A_10 = arith.constant 0 : index
    %get3A_11 = arith.constant 0 : index
    %get3A_12 = vector.load %arg4[%get3A_10, %get3A_11] : memref<10112x128xf32, #tpu.memory_space<vmem>>, vector<10112x1xf32>
    %add3A_13 = arith.addf %get3A_9, %get3A_12 : vector<10112x1xf32>
    %jit3A = arith.constant 1.000000e+00 : f32
    %max3A = vector.broadcast %jit3A : f32 to vector<10112x1xf32>
    %max3A_14 = arith.maximumf %max3A, %add3A_13 : vector<10112x1xf32>
    %div3A = vector.broadcast %max3A_14 : vector<10112x1xf32> to vector<10112x128xf32>
    %div3A_15 = arith.divf %add3A, %div3A : vector<10112x128xf32>
    %get3A_16 = arith.constant 0 : index
    %get3A_17 = arith.constant 0 : index
    %get3A_18 = vector.load %arg5[%get3A_16, %get3A_17] : memref<128x128xf32, #tpu.memory_space<vmem>>, vector<128x128xf32>
    %dot_general3A = arith.constant dense<0.000000e+00> : vector<10112x128xf32>
    %dot_general3A_19 = tpu.matmul %div3A_15, %get3A_18, %dot_general3A {dimension_numbers = #tpu.dot_dimension_numbers<[1], [0], [0], [1], [0, 0, 1, 1], [], []>, transpose_lhs_hint = false} : vector<10112x128xf32>, vector<128x128xf32>, vector<10112x128xf32> -> vector<10112x128xf32>
    %get3A_20 = arith.constant 0 : index
    %get3A_21 = arith.constant 0 : index
    %get3A_22 = vector.load %arg6[%get3A_20, %get3A_21] : memref<1x128xf32, #tpu.memory_space<vmem>>, vector<1x128xf32>
    %add3A_23 = vector.broadcast %get3A_22 : vector<1x128xf32> to vector<10112x128xf32>
    %add3A_24 = arith.addf %dot_general3A_19, %add3A_23 : vector<10112x128xf32>
    %get3A_25 = arith.constant 0 : index
    %get3A_26 = arith.constant 0 : index
    %get3A_27 = vector.load %arg0[%get3A_25, %get3A_26] : memref<10112x128xf32, #tpu.memory_space<vmem>>, vector<10112x128xf32>
    %get3A_28 = arith.constant 0 : index
    %get3A_29 = arith.constant 0 : index
    %get3A_30 = vector.load %arg7[%get3A_28, %get3A_29] : memref<128x128xf32, #tpu.memory_space<vmem>>, vector<128x128xf32>
    %dot_general3A_31 = arith.constant dense<0.000000e+00> : vector<10112x128xf32>
    %dot_general3A_32 = tpu.matmul %get3A_27, %get3A_30, %dot_general3A_31 {dimension_numbers = #tpu.dot_dimension_numbers<[1], [0], [0], [1], [0, 0, 1, 1], [], []>, transpose_lhs_hint = false} : vector<10112x128xf32>, vector<128x128xf32>, vector<10112x128xf32> -> vector<10112x128xf32>
    %add3A_33 = arith.addf %add3A_24, %dot_general3A_32 : vector<10112x128xf32>
    %jit3A_34 = arith.constant 0.000000e+00 : f32
    %broadcast_in_dim3A = vector.shape_cast %lt3A_1 : vector<10112x1xi1> to vector<10112x1xi1>
    %broadcast_in_dim3A_35 = vector.broadcast %broadcast_in_dim3A : vector<10112x1xi1> to vector<10112x128xi1>
    %broadcast_in_dim3A_36 = vector.broadcast %jit3A_34 : f32 to vector<10112x128xf32>
    %select_n3A = arith.select %broadcast_in_dim3A_35, %add3A_33, %broadcast_in_dim3A_36 : vector<10112x128xi1>, vector<10112x128xf32>
    %reduce_sum3A = arith.constant dense<0.000000e+00> : vector<128xf32>
    %reduce_sum3A_37 = vector.multi_reduction <add>, %select_n3A, %reduce_sum3A [0] : vector<10112x128xf32> to vector<128xf32>
    %broadcast_in_dim3A_38 = vector.shape_cast %reduce_sum3A_37 : vector<128xf32> to vector<1x128xf32>
    %mul3A = arith.constant 9.99999974E-5 : f32
    %mul3A_39 = vector.broadcast %mul3A : f32 to vector<1x128xf32>
    %mul3A_40 = arith.mulf %broadcast_in_dim3A_38, %mul3A_39 : vector<1x128xf32>
    %sub3A = vector.broadcast %mul3A_40 : vector<1x128xf32> to vector<10112x128xf32>
    %sub3A_41 = arith.subf %add3A_33, %sub3A : vector<10112x128xf32>
    %jit3A_42 = arith.constant 0.000000e+00 : f32
    %broadcast_in_dim3A_43 = vector.shape_cast %lt3A_1 : vector<10112x1xi1> to vector<10112x1xi1>
    %broadcast_in_dim3A_44 = vector.broadcast %broadcast_in_dim3A_43 : vector<10112x1xi1> to vector<10112x128xi1>
    %broadcast_in_dim3A_45 = vector.broadcast %jit3A_42 : f32 to vector<10112x128xf32>
    %select_n3A_46 = arith.select %broadcast_in_dim3A_44, %sub3A_41, %broadcast_in_dim3A_45 : vector<10112x128xi1>, vector<10112x128xf32>
    %mul3A_47 = arith.mulf %select_n3A_46, %select_n3A_46 : vector<10112x128xf32>
    %reduce_sum3A_48 = arith.constant dense<0.000000e+00> : vector<128xf32>
    %reduce_sum3A_49 = vector.multi_reduction <add>, %mul3A_47, %reduce_sum3A_48 [0] : vector<10112x128xf32> to vector<128xf32>
    %broadcast_in_dim3A_50 = vector.shape_cast %reduce_sum3A_49 : vector<128xf32> to vector<1x128xf32>
    %mul3A_51 = arith.constant 9.99999974E-5 : f32
    %mul3A_52 = vector.broadcast %mul3A_51 : f32 to vector<1x128xf32>
    %mul3A_53 = arith.mulf %broadcast_in_dim3A_50, %mul3A_52 : vector<1x128xf32>
    %sub3A_54 = vector.broadcast %mul3A_40 : vector<1x128xf32> to vector<10112x128xf32>
    %sub3A_55 = arith.subf %add3A_33, %sub3A_54 : vector<10112x128xf32>
    %get3A_56 = arith.constant 0 : index
    %get3A_57 = arith.constant 0 : index
    %get3A_58 = vector.load %arg8[%get3A_56, %get3A_57] : memref<1x128xf32, #tpu.memory_space<vmem>>, vector<1x128xf32>
    %add3A_59 = arith.constant 9.99999974E-6 : f32
    %add3A_60 = vector.broadcast %add3A_59 : f32 to vector<1x128xf32>
    %add3A_61 = arith.addf %mul3A_53, %add3A_60 : vector<1x128xf32>
    %rsqrt3A = math.rsqrt %add3A_61 : vector<1x128xf32>
    %mul3A_62 = arith.mulf %get3A_58, %rsqrt3A : vector<1x128xf32>
    %mul3A_63 = vector.broadcast %mul3A_62 : vector<1x128xf32> to vector<10112x128xf32>
    %mul3A_64 = arith.mulf %sub3A_55, %mul3A_63 : vector<10112x128xf32>
    %get3A_65 = arith.constant 0 : index
    %get3A_66 = arith.constant 0 : index
    %get3A_67 = vector.load %arg9[%get3A_65, %get3A_66] : memref<1x128xf32, #tpu.memory_space<vmem>>, vector<1x128xf32>
    %add3A_68 = vector.broadcast %get3A_67 : vector<1x128xf32> to vector<10112x128xf32>
    %add3A_69 = arith.addf %mul3A_64, %add3A_68 : vector<10112x128xf32>
    %max3A_70 = arith.constant 0.000000e+00 : f32
    %max3A_71 = vector.broadcast %max3A_70 : f32 to vector<10112x128xf32>
    %max3A_72 = arith.maximumf %add3A_69, %max3A_71 : vector<10112x128xf32>
    %jit3A_73 = arith.constant 0.000000e+00 : f32
    %broadcast_in_dim3A_74 = vector.shape_cast %lt3A_1 : vector<10112x1xi1> to vector<10112x1xi1>
    %broadcast_in_dim3A_75 = vector.broadcast %broadcast_in_dim3A_74 : vector<10112x1xi1> to vector<10112x128xi1>
    %broadcast_in_dim3A_76 = vector.broadcast %jit3A_73 : f32 to vector<10112x128xf32>
    %select_n3A_77 = arith.select %broadcast_in_dim3A_75, %max3A_72, %broadcast_in_dim3A_76 : vector<10112x128xi1>, vector<10112x128xf32>
    %swap3A = arith.constant 0 : index
    %swap3A_78 = arith.constant 0 : index
    %swap3A_79 = vector.load %arg10[%swap3A, %swap3A_78] : memref<10112x128xf32, #tpu.memory_space<vmem>>, vector<10112x128xf32>
    tpu.vector_store %arg10[%swap3A, %swap3A_78], %select_n3A_77 {strides = array<i32>} : memref<10112x128xf32, #tpu.memory_space<vmem>>, vector<10112x128xf32>,
    return
  }
}

module attributes {stable_mosaic.version = 14 : i64} {
  func.func @_tc_layer_body(%arg0: memref<10112x128xf32, #tpu.memory_space<vmem>>, %arg1: memref<10112x128xf32, #tpu.memory_space<vmem>>, %arg2: memref<10112x128xf32, #tpu.memory_space<vmem>>, %arg3: memref<10112x128xf32, #tpu.memory_space<vmem>>, %arg4: memref<10112x128xf32, #tpu.memory_space<vmem>>, %arg5: memref<128x128xf32, #tpu.memory_space<vmem>>, %arg6: memref<1x128xf32, #tpu.memory_space<vmem>>, %arg7: memref<128x128xf32, #tpu.memory_space<vmem>>, %arg8: memref<1x128xf32, #tpu.memory_space<vmem>>, %arg9: memref<1x128xf32, #tpu.memory_space<vmem>>, %arg10: memref<10112x128xf32, #tpu.memory_space<vmem>>) attributes {dimension_semantics = [], scalar_prefetch = 0 : i64, scratch_operands = 0 : i64, tpu.core_type = #tpu.core_type<tc>} {
    %iota3A = tpu.iota {dimensions = array<i32: 0>} : vector<10112x1xi32>
    %lt3A = arith.constant 10000 : i32
    %lt3A_0 = vector.broadcast %lt3A : i32 to vector<10112x1xi32>
    %lt3A_1 = arith.cmpi slt, %iota3A, %lt3A_0 : vector<10112x1xi32>
    %get3A = arith.constant 0 : index
    %get3A_2 = arith.constant 0 : index
    %get3A_3 = vector.load %arg1[%get3A, %get3A_2] : memref<10112x128xf32, #tpu.memory_space<vmem>>, vector<10112x128xf32>
    %get3A_4 = arith.constant 0 : index
    %get3A_5 = arith.constant 0 : index
    %get3A_6 = vector.load %arg2[%get3A_4, %get3A_5] : memref<10112x128xf32, #tpu.memory_space<vmem>>, vector<10112x128xf32>
    %add3A = arith.addf %get3A_3, %get3A_6 : vector<10112x128xf32>
    %get3A_7 = arith.constant 0 : index
    %get3A_8 = arith.constant 0 : index
    %get3A_9 = vector.load %arg3[%get3A_7, %get3A_8] : memref<10112x128xf32, #tpu.memory_space<vmem>>, vector<10112x1xf32>
    %get3A_10 = arith.constant 0 : index
    %get3A_11 = arith.constant 0 : index
    %get3A_12 = vector.load %arg4[%get3A_10, %get3A_11] : memref<10112x128xf32, #tpu.memory_space<vmem>>, vector<10112x1xf32>
    %add3A_13 = arith.addf %get3A_9, %get3A_12 : vector<10112x1xf32>
    %jit3A = arith.constant 1.000000e+00 : f32
    %max3A = vector.broadcast %jit3A : f32 to vector<10112x1xf32>
    %max3A_14 = arith.maximumf %max3A, %add3A_13 : vector<10112x1xf32>
    %div3A = vector.broadcast %max3A_14 : vector<10112x1xf32> to vector<10112x128xf32>
    %div3A_15 = arith.divf %add3A, %div3A : vector<10112x128xf32>
    %get3A_16 = arith.constant 0 : index
    %get3A_17 = arith.constant 0 : index
    %get3A_18 = vector.load %arg5[%get3A_16, %get3A_17] : memref<128x128xf32, #tpu.memory_space<vmem>>, vector<128x128xf32>
    %dot_general3A = arith.constant dense<0.000000e+00> : vector<10112x128xf32>
    %dot_general3A_19 = tpu.matmul %div3A_15, %get3A_18, %dot_general3A {dimension_numbers = #tpu.dot_dimension_numbers<[1], [0], [0], [1], [0, 0, 1, 1], [], []>, transpose_lhs_hint = false} : vector<10112x128xf32>, vector<128x128xf32>, vector<10112x128xf32> -> vector<10112x128xf32>
    %get3A_20 = arith.constant 0 : index
    %get3A_21 = arith.constant 0 : index
    %get3A_22 = vector.load %arg6[%get3A_20, %get3A_21] : memref<1x128xf32, #tpu.memory_space<vmem>>, vector<1x128xf32>
    %add3A_23 = vector.broadcast %get3A_22 : vector<1x128xf32> to vector<10112x128xf32>
    %add3A_24 = arith.addf %dot_general3A_19, %add3A_23 : vector<10112x128xf32>
    %get3A_25 = arith.constant 0 : index
    %get3A_26 = arith.constant 0 : index
    %get3A_27 = vector.load %arg0[%get3A_25, %get3A_26] : memref<10112x128xf32, #tpu.memory_space<vmem>>, vector<10112x128xf32>
    %get3A_28 = arith.constant 0 : index
    %get3A_29 = arith.constant 0 : index
    %get3A_30 = vector.load %arg7[%get3A_28, %get3A_29] : memref<128x128xf32, #tpu.memory_space<vmem>>, vector<128x128xf32>
    %dot_general3A_31 = arith.constant dense<0.000000e+00> : vector<10112x128xf32>
    %dot_general3A_32 = tpu.matmul %get3A_27, %get3A_30, %dot_general3A_31 {dimension_numbers = #tpu.dot_dimension_numbers<[1], [0], [0], [1], [0, 0, 1, 1], [], []>, transpose_lhs_hint = false} : vector<10112x128xf32>, vector<128x128xf32>, vector<10112x128xf32> -> vector<10112x128xf32>
    %add3A_33 = arith.addf %add3A_24, %dot_general3A_32 : vector<10112x128xf32>
    %jit3A_34 = arith.constant 0.000000e+00 : f32
    %broadcast_in_dim3A = vector.shape_cast %lt3A_1 : vector<10112x1xi1> to vector<10112x1xi1>
    %broadcast_in_dim3A_35 = vector.broadcast %broadcast_in_dim3A : vector<10112x1xi1> to vector<10112x128xi1>
    %broadcast_in_dim3A_36 = vector.broadcast %jit3A_34 : f32 to vector<10112x128xf32>
    %select_n3A = arith.select %broadcast_in_dim3A_35, %add3A_33, %broadcast_in_dim3A_36 : vector<10112x128xi1>, vector<10112x128xf32>
    %reduce_sum3A = arith.constant dense<0.000000e+00> : vector<128xf32>
    %reduce_sum3A_37 = vector.multi_reduction <add>, %select_n3A, %reduce_sum3A [0] : vector<10112x128xf32> to vector<128xf32>
    %broadcast_in_dim3A_38 = vector.shape_cast %reduce_sum3A_37 : vector<128xf32> to vector<1x128xf32>
    %mul3A = arith.constant 9.99999974E-5 : f32
    %mul3A_39 = vector.broadcast %mul3A : f32 to vector<1x128xf32>
    %mul3A_40 = arith.mulf %broadcast_in_dim3A_38, %mul3A_39 : vector<1x128xf32>
    %sub3A = vector.broadcast %mul3A_40 : vector<1x128xf32> to vector<10112x128xf32>
    %sub3A_41 = arith.subf %add3A_33, %sub3A : vector<10112x128xf32>
    %jit3A_42 = arith.constant 0.000000e+00 : f32
    %broadcast_in_dim3A_43 = vector.shape_cast %lt3A_1 : vector<10112x1xi1> to vector<10112x1xi1>
    %broadcast_in_dim3A_44 = vector.broadcast %broadcast_in_dim3A_43 : vector<10112x1xi1> to vector<10112x128xi1>
    %broadcast_in_dim3A_45 = vector.broadcast %jit3A_42 : f32 to vector<10112x128xf32>
    %select_n3A_46 = arith.select %broadcast_in_dim3A_44, %sub3A_41, %broadcast_in_dim3A_45 : vector<10112x128xi1>, vector<10112x128xf32>
    %mul3A_47 = arith.mulf %select_n3A_46, %select_n3A_46 : vector<10112x128xf32>
    %reduce_sum3A_48 = arith.constant dense<0.000000e+00> : vector<128xf32>
    %reduce_sum3A_49 = vector.multi_reduction <add>, %mul3A_47, %reduce_sum3A_48 [0] : vector<10112x128xf32> to vector<128xf32>
    %broadcast_in_dim3A_50 = vector.shape_cast %reduce_sum3A_49 : vector<128xf32> to vector<1x128xf32>
    %mul3A_51 = arith.constant 9.99999974E-5 : f32
    %mul3A_52 = vector.broadcast %mul3A_51 : f32 to vector<1x128xf32>
    %mul3A_53 = arith.mulf %broadcast_in_dim3A_50, %mul3A_52 : vector<1x128xf32>
    %sub3A_54 = vector.broadcast %mul3A_40 : vector<1x128xf32> to vector<10112x128xf32>
    %sub3A_55 = arith.subf %add3A_33, %sub3A_54 : vector<10112x128xf32>
    %get3A_56 = arith.constant 0 : index
    %get3A_57 = arith.constant 0 : index
    %get3A_58 = vector.load %arg8[%get3A_56, %get3A_57] : memref<1x128xf32, #tpu.memory_space<vmem>>, vector<1x128xf32>
    %add3A_59 = arith.constant 9.99999974E-6 : f32
    %add3A_60 = vector.broadcast %add3A_59 : f32 to vector<1x128xf32>
    %add3A_61 = arith.addf %mul3A_53, %add3A_60 : vector<1x128xf32>
    %rsqrt3A = math.rsqrt %add3A_61 : vector<1x128xf32>
    %mul3A_62 = arith.mulf %get3A_58, %rsqrt3A : vector<1x128xf32>
    %mul3A_63 = vector.broadcast %mul3A_62 : vector<1x128xf32> to vector<10112x128xf32>
    %mul3A_64 = arith.mulf %sub3A_55, %mul3A_63 : vector<10112x128xf32>
    %get3A_65 = arith.constant 0 : index
    %get3A_66 = arith.constant 0 : index
    %get3A_67 = vector.load %arg9[%get3A_65, %get3A_66] : memref<1x128xf32, #tpu.memory_space<vmem>>, vector<1x128xf32>
    %add3A_68 = vector.broadcast %get3A_67 : vector<1x128xf32> to vector<10112x128xf32>
    %add3A_69 = arith.addf %mul3A_64, %add3A_68 : vector<10112x128xf32>
    %jit3A_70 = arith.constant 0.000000e+00 : f32
    %broadcast_in_dim3A_71 = vector.shape_cast %lt3A_1 : vector<10112x1xi1> to vector<10112x1xi1>
    %broadcast_in_dim3A_72 = vector.broadcast %broadcast_in_dim3A_71 : vector<10112x1xi1> to vector<10112x128xi1>
    %broadcast_in_dim3A_73 = vector.broadcast %jit3A_70 : f32 to vector<10112x128xf32>
    %select_n3A_74 = arith.select %broadcast_in_dim3A_72, %add3A_69, %broadcast_in_dim3A_73 : vector<10112x128xi1>, vector<10112x128xf32>
    %swap3A = arith.constant 0 : index
    %swap3A_75 = arith.constant 0 : index
    %swap3A_76 = vector.load %arg10[%swap3A, %swap3A_75] : memref<10112x128xf32, #tpu.memory_space<vmem>>, vector<10112x128xf32>
    tpu.vector_store %arg10[%swap3A, %swap3A_75], %select_n3A_74 {strides = array<i32>} : memref<10112x128xf32, #tpu.memory_space<vmem>>, vector<10112x128xf32>,
    return
  }
}

</mosaic_0001>

<sc_bundles>
// kernel: kernel.12.cloned.1.call-start
scs
__scs_entry_jumppad:
0x0: {  	(pc) =	sbr.rel $0x88, $3  }
0x1: {  	(tag) =	ssettag $0x0;
	lr =	simm.s32 $0x1  }
0x2: {  	[smem:$0x3F90] =	sst lr;
	_ =	strace $0xD0000000  }
0x3: {  	_ = 	snop  }
0x4: {  	_ = 	snop  }
0x5: {  	_ = 	snop  }
0x6: {  	_ = 	snop  }
0x7: {  	_ = 	snop  }
__scs_overlays_trampoline_lowered:
0x8: {  	[smem:$0x3F9F] =	sst s0  }
0x9: {  	[smem:$0x3FA0] =	sst s1  }
0xa: {  	[smem:$0x3FA1] =	sst s2  }
0xb: {  	[smem:$0x3FA2] =	sst s3  }
0xc: {  	[smem:$0x3FA3] =	sst s4  }
0xd: {  	[smem:$0x3FA4] =	sst s5  }
0xe: {  	[smem:$0x3FA5] =	sst s6  }
0xf: {  	[smem:$0x3FA6] =	sst s7  }
0x10: {  	[smem:$0x3FA7] =	sst s8  }
0x11: {  	[smem:$0x3FA8] =	sst s9;
	s0 =	simm.s32 @!p0 $0x0  }
0x12: {  	s1 =	sld [smem:$0x3F8E];
	s0 =	simm.s32 @p0 $0x1  }
0x13: {  	[smem:$0x3FA9] =	sst s0;
	s0 =	simm.s32 @!p1 $0x0  }
0x14: {  	s2 =	sld [smem:$0x3F8D];
	s0 =	simm.s32 @p1 $0x1  }
0x15: {  	[smem:$0x3FAA] =	sst s0;
	s0 =	simm.s32 @!p2 $0x0  }
0x16: {  	s3 =	sld [smem:$0x3FDB];
	s0 =	simm.s32 @p2 $0x1  }
0x17: {  	s4 =	simm.s32 $0x1BF5;
	[smem:$0x3FAC] =	sst s0  }
0x18: {  	s0 =	sld [smem:$0x3F8F];
	_ =	swait.ge [sflag:s4], $0x0  }
0x19: {  	s7 =	sld [smem:$0x3F90]  }
0x1a: {  	s8 =	sadd.s32 $0xFFFFE003, lr  }
0x1b: {  	s9 =	sadd.s32 $0xFFFFFEF7, lr;
	s5 =	simm.s32 $0xFFFFFFFF;
	p2 =	slt.u32 s8, $0xFFFFF086  }
0x1c: {  	p1 =	slt.u32 s9, $0xF7A;
	s5 =	simm.s32 @!p2 $0x0  }
0x1d: {  	s5 =	simm.s32 @p1 $0x1;
	p0 =	seq.s32 s7, s2  }
0x1e: {  	s7 =	smul.u32 @!p0 $0xF7A, s2;
	p2 =	seq.s32 @!p0 s5, $0x0  }
0x1f: {  	s9 =	smul.u32 $0xF7A, s1;
	s8 =	simm.s32 @!p0 $0x1BF5;
	p2 =	por !p2, p0  }
0x20: {  	[sflag:s8] =	ssyncset.s32 @!p0 $0xFFFFF086;
	s6 =	sadd.s32 @!p0 s3, s7;
	s7 =	simm.s32 @!p0 $0x108  }
0x21: {  	s3 =	sadd.s32 s3, s9;
	s6 =	sadd.s32 @!p0 $0x88, s6;
	s7 =	simm.s32 @p2 $0x1082  }
0x22: {  	[simem:s7], [sflag:s8] =	dma.local @!p0 [hbm:s6], $0xF7A  }
0x23: {  	s9 =	sor.u32 $0xD0000000, s2;
	s6 =	simm.s32 $0x108;
	_ =	swait.ge @!p0 [sflag:s8], $0x0  }
0x24: {  	s3 =	sadd.s32 $0x88, s3;
	s6 =	simm.s32 @!p1 $0x1082;
	[sflag:s4] =	ssyncset.s32 $0xFFFFF086  }
0x25: {  	[simem:s6], [sflag:s4] =	dma.local [hbm:s3], $0xF7A  }
0x26: {  	[smem:$0x3F90] =	sst s1;
	(tag) =	ssettag s2;
	_ =	strace s9  }
0x27: {  	s1 =	sld [smem:$0x3FA0]  }
0x28: {  	s2 =	sld [smem:$0x3FA1]  }
0x29: {  	s4 =	sld [smem:$0x3FA3]  }
0x2a: {  	p0 =	seq.s32 s5, $0x0;
	s5 =	sld [smem:$0x3FA4]  }
0x2b: {  	s6 =	sld [smem:$0x3FA5]  }
0x2c: {  	s7 =	sld [smem:$0x3FA6]  }
0x2d: {  	s3 =	simm.s32 $0x108;
	s8 =	sld [smem:$0x3FA7]  }
0x2e: {  	s3 =	simm.s32 @!p0 $0x1082;
	s9 =	sld [smem:$0x3FA8]  }
0x2f: {  	lr =	sadd.s32 s0, s3;
	s0 =	sld [smem:$0x3F9F]  }
0x30: {  	s3 =	sld [smem:$0x3FA2]  }
0x31: {  	[smem:$0x3FAB] =	sst s10  }
0x32: {  	s10 =	sld [smem:$0x3FA9];
	_ =	sdelay $0x3  }
0x33: {  	p0 =	seq.s32 s10, $0x1;
	s10 =	sld [smem:$0x3FAB];
	_ =	sdelay $0x3  }
0x34: {  	[smem:$0x3FAB] =	sst s10  }
0x35: {  	s10 =	sld [smem:$0x3FAA];
	_ =	sdelay $0x3  }
0x36: {  	p1 =	seq.s32 s10, $0x1;
	s10 =	sld [smem:$0x3FAB];
	_ =	sdelay $0x3  }
0x37: {  	[smem:$0x3FAB] =	sst s10  }
0x38: {  	s10 =	sld [smem:$0x3FAC]  }
0x39: {  	_ = 	snop;
	(pc) =	sbr.ind lr, $3  }
0x3a: {  	_ = 	snop  }
0x3b: {  	_ = 	snop  }
0x3c: {  	p2 =	seq.s32 s10, $0x1;
	s10 =	sld [smem:$0x3FAB]  }
0x3d: {  	_ =	shalt  }
0x3e: {  	_ =	shalt  }
0x3f: {  	_ =	shalt  }
0x40: {  	_ =	shalt  }
0x41: {  	_ =	shalt  }
0x42: {  	_ =	shalt  }
0x43: {  	_ =	shalt  }
0x44: {  	_ =	shalt  }
0x45: {  	_ =	shalt  }
0x46: {  	_ =	shalt  }
0x47: {  	_ =	shalt  }
0x48: {  	_ =	shalt  }
0x49: {  	_ =	shalt  }
0x4a: {  	_ =	shalt  }
0x4b: {  	_ =	shalt  }
0x4c: {  	_ =	shalt  }
0x4d: {  	_ =	shalt  }
0x4e: {  	_ =	shalt  }
0x4f: {  	_ =	shalt  }
0x50: {  	_ =	shalt  }
0x51: {  	_ =	shalt  }
0x52: {  	_ =	shalt  }
0x53: {  	_ =	shalt  }
0x54: {  	_ =	shalt  }
0x55: {  	_ =	shalt  }
0x56: {  	_ =	shalt  }
0x57: {  	_ =	shalt  }
0x58: {  	_ =	shalt  }
0x59: {  	_ =	shalt  }
0x5a: {  	_ =	shalt  }
0x5b: {  	_ =	shalt  }
0x5c: {  	_ =	shalt  }
0x5d: {  	_ =	shalt  }
0x5e: {  	_ =	shalt  }
0x5f: {  	_ =	shalt  }
0x60: {  	_ =	shalt  }
0x61: {  	_ =	shalt  }
0x62: {  	_ =	shalt  }
0x63: {  	_ =	shalt  }
0x64: {  	_ =	shalt  }
0x65: {  	_ =	shalt  }
0x66: {  	_ =	shalt  }
0x67: {  	_ =	shalt  }
0x68: {  	_ =	shalt  }
0x69: {  	_ =	shalt  }
0x6a: {  	_ =	shalt  }
0x6b: {  	_ =	shalt  }
0x6c: {  	_ =	shalt  }
0x6d: {  	_ =	shalt  }
0x6e: {  	_ =	shalt  }
0x6f: {  	_ =	shalt  }
0x70: {  	_ =	shalt  }
0x71: {  	_ =	shalt  }
0x72: {  	_ =	shalt  }
0x73: {  	_ =	shalt  }
0x74: {  	_ =	shalt  }
0x75: {  	_ =	shalt  }
0x76: {  	_ =	shalt  }
0x77: {  	_ =	shalt  }
0x78: {  	_ =	shalt  }
0x79: {  	_ =	shalt  }
0x7a: {  	_ =	shalt  }
0x7b: {  	_ =	shalt  }
0x7c: {  	_ =	shalt  }
0x7d: {  	_ =	shalt  }
0x7e: {  	_ =	shalt  }
0x7f: {  	_ =	shalt  }
0x80: {  	_ =	shalt  }
0x81: {  	_ =	shalt  }
0x82: {  	_ =	shalt  }
0x83: {  	_ =	shalt  }
0x84: {  	_ =	shalt  }
0x85: {  	_ =	shalt  }
0x86: {  	_ =	shalt  }
0x87: {  	_ =	shalt  }
.Lfunc_end0:
.L_simem_size_0:
called_computation.1_lowered:
.L_overlay_start_0:
0x88: {  	s2 =	sld [smem:$0x3FD9]  }
0x89: {  	s3 =	sld [smem:$0x3FFE];
	_ =	sdelay $0x1  }
0x8a: {  	s1 =	srdreg.scid  }
0x8b: {  	s0 =	sand.u32 $0x1, s1  }
0x8c: {  	s17 =	sshll.u32 s0, $0xA;
	s2 =	sadd.s32 s3, s2  }
0x8d: {  	s2 =	sadd.s32 s2, s17  }
0x8e: {  	[smem:$0x3FB7] =	sst s2  }
0x8f: {  	_ = 	snop  }
0x90: {  	s2 =	sld [smem:$0x3FD0];
	(tm) =	ssettm $0x1  }
0x91: {  	s18 =	sld [smem:$0x3FFB];
	_ =	sdelay $0x3  }
0x92: {  	_ =	strace s18  }
0x93: {  	s3 =	sld [smem:$0x3FFC];
	_ =	sdelay $0x3  }
0x94: {  	_ =	strace s3  }
0x95: {  	s3 =	sld [smem:$0x3FFD];
	_ =	sdelay $0x3  }
0x96: {  	_ =	strace s3  }
0x97: {  	_ =	strace $0x8FFFFFFF  }
0x98: {  	s19 =	sld [smem:$0x3FDB];
	_ =	sdelay $0x1  }
0x99: {  	s4 =	simm.s32 $_scs_section_size  }
0x9a: {  	s5 =	simm.s32 $_size__tile_overlayer_lowered;
	s6 =	simm.s32 $_tile_overlayer_lowered  }
0x9b: {  	s22 =	simm.s32 $0x1BFF;
	s21 =	sshll.u32 s6, $0x1;
	s3 =	sadd.s32 s4, s19  }
0x9c: {  	s7 =	simm.s32 $0x0;
	s20 =	sshll.u32 s5, $0x1;
	s5 =	sadd.s32 s21, s3  }
0x9d: {  	[timem:s7], [sflag:s22] =	dma.local [hbm:s5], s20  }
0x9e: {  	_ =	swait.ge [sflag:s22], s20  }
0x9f: {  	s4 =	ssub.s32 $0x0, s20;
	[sflag:s22] =	ssyncset.done $0x0  }
0xa0: {  	[sflag:s22] =	ssyncadd.s32 s4;
	_ =	sdelay $0x1  }
0xa1: {  	s23 =	simm.s32 $0x1B8B  }
0xa2: {  	_ =	swait.ge [sflag:s23], $0x1  }
0xa3: {  	[sflag:s23] =	ssyncset.done $0x0  }
0xa4: {  	s25 =	simm.s32 $0x1B8E;
	s24 =	sld [smem:$0x3FFE];
	[sflag:s23] =	ssyncadd.s32 $0xFFFFFFFF  }
0xa5: {  	s26 =	simm.s32 $execute0_lowered;
	[smem:$0x3FD2] =	sst s25  }
0xa6: {  	s5 =	sshll.u32 s26, $0x1;
	_ =	strace $0x80000046;
	[dreg:$0x1] =	wrdreg $0xFFFFFFFF  }
0xa7: {  	s28 =	simm.s32 $_size_execute0_lowered;
	s3 =	sadd.s32 s3, s5;
	[dreg:$0x0] =	wrdreg $0x0  }
0xa8: {  	s5 =	sshll.u32 s28, $0x1;
	[dreg:$0x2] =	wrdreg s3  }
0xa9: {  	[dreg:$0x3] =	wrdreg s5  }
0xaa: {  	[dreg:$0x4] =	wrdreg $0xC0  }
0xab: {  	_ =	task [dreg:s7], $0x5FFFF  }
0xac: {  	[dreg:$0x1] =	wrdreg $0xFFFFFFFF  }
0xad: {  	[dreg:$0x0] =	wrdreg $0x60  }
0xae: {  	[dreg:$0x2] =	wrdreg s24  }
0xaf: {  	[dreg:$0x3] =	wrdreg s2  }
0xb0: {  	[dreg:$0x4] =	wrdreg $0x0  }
0xb1: {  	[dreg:$0x5] =	wrdreg $0xA  }
0xb2: {  	_ =	task.clear_ibuf [dreg:s7], $0x6FFFF;
	_ =	strace $0x90000046  }
0xb3: {  	s29 =	simm.s32 $0xA;
	_ =	strace $0x80000048  }
0xb4: {  	_ =	swait.ge [sflag:s29], $0x1  }
0xb5: {  	[sflag:s29] =	ssyncadd.s32 $0xFFFFFFFF  }
0xb6: {  	_ =	strace $0x90000048  }
0xb7: {  	_ =	sfence  }
0xb8: {  	s30 =	sld [smem:$0x0];
	_ =	sdelay $0x2  }
0xb9: {  	s31 =	sshll.u32 s1, $0xD;
	s1 =	sshrl.u32 s1, $0x2  }
0xba: {  	s3 =	sand.u32 $0x4000, s31;
	s1 =	sadd.s32 s1, s30  }
0xbb: {  	s0 =	sor.u32 s3, s0;
	s1 =	sshll.u32 s1, $0x11  }
0xbc: {  	s0 =	sor.u32 s1, s0  }
0xbd: {  	s0 =	sadd.s32 $0x8F2B, s0  }
0xbe: {  	[sflag:s0] =	ssyncadd.remote.s32 $0x1  }
0xbf: {  	_ =	sfence.sel $0xFFFF  }
0xc0: {  	[dreg:$0x0] =	wrdreg $0xFFFFFFFF;
	(pc) =	sbr.abs _section_cstart, $3  }
0xc1: {  	[dreg:$0x1] =	wrdreg $0xFFFFFFFF  }
0xc2: {  	_ =	task.clear_ibuf [dreg:s7], $0x2FFFF;
	_ =	strace $0x9FFFFFFF  }
0xc3: {  	(tm) =	ssettm $0x7FFFFFFF  }
tec
execute0_lowered:
.L_overlay_start_1:
0x0: {  	(tag) =	ssettag $0x1  }
0x1: {  	s6 =	rddreg [dreg:$0x0]  }
0x2: {  	s8 =	rddreg [dreg:$0x1]  }
0x3: {  	s2 =	rddreg [dreg:$0x2]  }
0x4: {  	s1 =	srdreg.scid;
	s0 =	rddreg [dreg:$0x3]  }
0x5: {  	s3 =	simm.s32 $0x0;
	s15 =	simm.s32 $0x80;
	s16 =	simm.s32 $0x18C00  }
0x6: {  	s17 =	simm.s32 $0x1;
	s7 =	sand.u32 $0x1, s1;
	s1 =	stileid.u32  }
0x7: {  	s18 =	simm.s32 $0x0;
	[smem:$0x7FF] =	sst s3;
	s5 =	smul.u32 $0x13C000, s7  }
0x8: {  	s4 =	sshll.u32 s7, $0x4;
	s9 =	smul.u32 $0x13C00, s1;
	_ =	strace $0x80000047  }
0x9: {  	s12 =	smul.u32 $0x4F000, s1;
	s31 =	ssub.s32 $0x2, s7;
	s4 =	sor.u32 s1, s4  }
0xa: {  	s13 =	sshll.u32 s1, $0x6;
	s7 =	sshrl.u32 s31, $0x1;
	s10 =	smul.u32 $0x500, s4  }
0xb: {  	s4 =	sadd.s32 $0xF000, s6;
	s5 =	sadd.s32 s9, s5;
	s12 =	sshrl.u32 s12, $0x2  }
0xc: {  	s14 =	ssub.s32 s31, s7;
	s11 =	sshrl.u32 s5, $0x3;
	s5 =	sadd.s32 $0x36800, s6  }
0xd: {  	s12 =	sadd.s32 s12, s2;
	s30 =	sadd.s32 s10, s6;
	s11 =	sadd.s32 s11, s6  }
0xe: {  	s6 =	sor.u32 $0x1C02, s13;
	s8 =	sadd.s32 s8, s10;
	s10 =	smax.u32 s14, $0x1  }
0xf: {  	s13 =	simm.s32 $0x13C00;
	s14 =	simm.s32 $0x16400;
	s7 =	sadd.s32 $0x5000, s30  }
0x10: {  	s9 =	sadd.s32 $0x39000, s11;
	s11 =	sshrl.u32 s12, $0x3;
	s12 =	simm.s32 $0x2  }
.LBB2_1:
0x11: {  	[spmem:s11], [sflag:s6] =	dma.local [hbm:s5], $0x2780  }
0x12: {  	_ =	swait.ge [sflag:s12], $0x2780  }
0x13: {  	[sflag:s12] =	ssyncset.done $0x0  }
0x14: {  	[sflag:s12] =	ssyncadd.s32 $0xFFFFD880  }
0x15: {  	[tilespmem:s13], [sflag:$0x2] =	stream.linear.gather [hbm4b:s7+s3], $0x2780, $0x38;
	[tilespmem:$0x1CC00] =	vst v63  }
0x16: {  	_ =	swait.ge [sflag:s12], $0x2780  }
0x17: {  	[sflag:s12] =	ssyncset.done $0x0  }
0x18: {  	[sflag:s12] =	ssyncadd.s32 $0xFFFFD880  }
0x19: {  	[tilespmem:s14], [sflag:$0x2] =	stream.linear.gather [hbm4b:s8+s3], $0x2780, $0x38;
	[tilespmem:$0x1CC00] =	vst v63  }
0x1a: {  	_ =	swait.ge [sflag:s12], $0x2780  }
0x1b: {  	[sflag:s12] =	ssyncset.done $0x0  }
0x1c: {  	[sflag:s12] =	ssyncadd.s32 $0xFFFFD880  }
0x1d: {  	s19 =	simm.s32 $0x13C00;
	[bflag:$0x0] =	sbarrier.arrive $0xFFFF  }
0x1e: {  	[tilespmem:s16], [sflag:$0x1] =	stream.indirect.gather [hbm4b:s4+s15], $0x80, s19, s15, $0xb8;
	[tilespmem:$0x1CC00] =	vst v63  }
0x1f: {  	_ =	swait.ge [sflag:s17], $0x4000  }
0x20: {  	[sflag:s17] =	ssyncset.done $0x0  }
0x21: {  	s31 =	simm.s32 $0x16400;
	[sflag:s17] =	ssyncadd.s32 $0xFFFFC000  }
0x22: {  	[spmem:s2] =	stream.indirect.scatter.add.f32 [tilespmem:s16], [sflag:$0x1], $0x80, s31, s15, $0xb8;
	[tilespmem:$0x1CC00] =	vst v63  }
0x23: {  	_ =	swait.ge [sflag:s17], $0x4000  }
0x24: {  	s20 =	simm.s32 $0x400;
	s19 =	simm.s32 $0x80;
	[sflag:s17] =	ssyncset.done $0x0  }
.LBB2_2:
0x25: {  	s21 =	sadd.s32 $0x13C00, s19  }
0x26: {  	[sflag:s17] =	ssyncadd.s32 $0xFFFFC000;
	s22 =	smov.u32 s20;
	s23 =	sadd.s32 $0x200, s20  }
0x27: {  	[tilespmem:s16], [sflag:$0x1] =	stream.indirect.gather [hbm4b:s4+s15], $0x80, s21, s15, $0xb8;
	[tilespmem:$0x1CC00] =	vst v63  }
0x28: {  	p0 =	sne.s32 s20, $0x9C00;
	_ =	swait.ge [sflag:s17], $0x4000  }
.Ltmp0:
0x29: {  	[sflag:s17] =	ssyncset.done $0x0;
	(pc) =	sbr.rel @p0 .LBB2_2-.Ltmp0, $4  }
0x2a: {  	s19 =	sadd.s32 $0x16400, s19;
	[sflag:s17] =	ssyncadd.s32 $0xFFFFC000  }
0x2b: {  	[spmem:s2] =	stream.indirect.scatter.add.f32 [tilespmem:s16], [sflag:$0x1], $0x80, s19, s15, $0xb8;
	[tilespmem:$0x1CC00] =	vst v63  }
0x2c: {  	_ =	swait.ge [sflag:s17], $0x4000  }
0x2d: {  	s20 =	smov.u32 s23;
	s19 =	sshra.s32 s22, $0x2;
	[sflag:s17] =	ssyncset.done $0x0  }
0x2e: {  	s20 =	sadd.s32 $0x13C00, s19;
	[sflag:s17] =	ssyncadd.s32 $0xFFFFC000  }
0x2f: {  	[tilespmem:s16], [sflag:$0x1] =	stream.indirect.gather [hbm4b:s4+s15], $0x80, s20, s15, $0xb8;
	[tilespmem:$0x1CC00] =	vst v63  }
0x30: {  	_ =	swait.ge [sflag:s17], $0x4000  }
0x31: {  	[sflag:s17] =	ssyncset.done $0x0  }
0x32: {  	s31 =	sadd.s32 $0x16400, s19;
	[sflag:s17] =	ssyncadd.s32 $0xFFFFC000  }
0x33: {  	[spmem:s2] =	stream.indirect.scatter.add.f32 [tilespmem:s16], [sflag:$0x1], $0x80, s31, s15, $0xb8;
	[tilespmem:$0x1CC00] =	vst v63  }
0x34: {  	_ =	swait.ge [sflag:s17], $0x4000  }
0x35: {  	s18 =	sadd.s32 $0x1, s18;
	[sflag:s17] =	ssyncset.done $0x0  }
0x36: {  	p0 =	sne.s32 s18, s10;
	[sflag:s17] =	ssyncadd.s32 $0xFFFFC000  }
.Ltmp1:
0x37: {  	[bflag:$0x0] =	sbarrier.arrive $0xFFFF;
	(pc) =	sbr.rel @p0 .LBB2_1-.Ltmp1, $4  }
0x38: {  	[hbm:s9], [sflag:s6] =	dma.local [spmem:s11], $0x2780  }
0x39: {  	_ =	swait.ge [sflag:s12], $0x2780  }
0x3a: {  	[sflag:s12] =	ssyncset.done $0x0  }
0x3b: {  	[sflag:s12] =	ssyncadd.s32 $0xFFFFD880  }
0x3c: {  	_ =	sfence.sel $0x180000  }
0x3d: {  	[bflag:$0x0] =	sbarrier.arrive $0xFFFF  }
0x3e: {  	p0 =	sne.s32 s1, $0x0;
	_ =	strace $0x90000047  }
0x3f: {  	s0 =	sadd.s32 @!p0 $0x100000, s0;
	[bflag:$0x2] =	sbarrier.arrive $0xFFFF  }
0x40: {  	[sflag:s0] =	ssyncadd.tile.s32 @!p0 $0x1;
	_ =	shalt  }
.Lfunc_end2:
_tile_overlayer_lowered:
.L_overlay_start_2:
0x41: {  	(tag) =	ssettag $0x2  }
0x42: {  	s0 =	rddreg [dreg:$0x0];
	s2 =	stileid.u32  }
0x43: {  	s1 =	rddreg [dreg:$0x1];
	p0 =	sne.s32 s2, $0x0  }
0x44: {  	s3 =	rddreg [dreg:$0x2];
	[bflag:$0x3] =	sbarrier.arrive $0xFFFF;
	s2 =	simm.s32 @!p0 $0x1C02  }
0x45: {  	[timem:s3], [sflag:s2] =	dma.local @!p0 [hbm:s0], s1  }
0x46: {  	s0 =	simm.s32 @!p0 $0x2  }
0x47: {  	_ =	swait.ge @!p0 [sflag:s0], s1  }
0x48: {  	s1 =	ssub.s32 @!p0 $0x0, s1;
	[sflag:s0] =	ssyncset.done @!p0 $0x0  }
0x49: {  	[sflag:s0] =	ssyncadd.s32 @!p0 s1  }
0x4a: {  	[bflag:$0x3] =	sbarrier.arrive $0xFFFF  }
0x4b: {  	_ =	shalt  }

// kernel: kernel.15.cloned.1.call-start
scs
__scs_entry_jumppad:
0x0: {  	(pc) =	sbr.rel $0x88, $3  }
0x1: {  	(tag) =	ssettag $0x0;
	lr =	simm.s32 $0x1  }
0x2: {  	[smem:$0x3F90] =	sst lr;
	_ =	strace $0xD0000000  }
0x3: {  	_ = 	snop  }
0x4: {  	_ = 	snop  }
0x5: {  	_ = 	snop  }
0x6: {  	_ = 	snop  }
0x7: {  	_ = 	snop  }
__scs_overlays_trampoline_lowered:
0x8: {  	[smem:$0x3F9F] =	sst s0  }
0x9: {  	[smem:$0x3FA0] =	sst s1  }
0xa: {  	[smem:$0x3FA1] =	sst s2  }
0xb: {  	[smem:$0x3FA2] =	sst s3  }
0xc: {  	[smem:$0x3FA3] =	sst s4  }
0xd: {  	[smem:$0x3FA4] =	sst s5  }
0xe: {  	[smem:$0x3FA5] =	sst s6  }
0xf: {  	[smem:$0x3FA6] =	sst s7  }
0x10: {  	[smem:$0x3FA7] =	sst s8  }
0x11: {  	[smem:$0x3FA8] =	sst s9;
	s0 =	simm.s32 @!p0 $0x0  }
0x12: {  	s1 =	sld [smem:$0x3F8E];
	s0 =	simm.s32 @p0 $0x1  }
0x13: {  	[smem:$0x3FA9] =	sst s0;
	s0 =	simm.s32 @!p1 $0x0  }
0x14: {  	s2 =	sld [smem:$0x3F8D];
	s0 =	simm.s32 @p1 $0x1  }
0x15: {  	[smem:$0x3FAA] =	sst s0;
	s0 =	simm.s32 @!p2 $0x0  }
0x16: {  	s3 =	sld [smem:$0x3FDB];
	s0 =	simm.s32 @p2 $0x1  }
0x17: {  	s4 =	simm.s32 $0x1BF5;
	[smem:$0x3FAC] =	sst s0  }
0x18: {  	s0 =	sld [smem:$0x3F8F];
	_ =	swait.ge [sflag:s4], $0x0  }
0x19: {  	s7 =	sld [smem:$0x3F90]  }
0x1a: {  	s8 =	sadd.s32 $0xFFFFE003, lr  }
0x1b: {  	s9 =	sadd.s32 $0xFFFFFEF7, lr;
	s5 =	simm.s32 $0xFFFFFFFF;
	p2 =	slt.u32 s8, $0xFFFFF086  }
0x1c: {  	p1 =	slt.u32 s9, $0xF7A;
	s5 =	simm.s32 @!p2 $0x0  }
0x1d: {  	s5 =	simm.s32 @p1 $0x1;
	p0 =	seq.s32 s7, s2  }
0x1e: {  	s7 =	smul.u32 @!p0 $0xF7A, s2;
	p2 =	seq.s32 @!p0 s5, $0x0  }
0x1f: {  	s9 =	smul.u32 $0xF7A, s1;
	s8 =	simm.s32 @!p0 $0x1BF5;
	p2 =	por !p2, p0  }
0x20: {  	[sflag:s8] =	ssyncset.s32 @!p0 $0xFFFFF086;
	s6 =	sadd.s32 @!p0 s3, s7;
	s7 =	simm.s32 @!p0 $0x108  }
0x21: {  	s3 =	sadd.s32 s3, s9;
	s6 =	sadd.s32 @!p0 $0x88, s6;
	s7 =	simm.s32 @p2 $0x1082  }
0x22: {  	[simem:s7], [sflag:s8] =	dma.local @!p0 [hbm:s6], $0xF7A  }
0x23: {  	s9 =	sor.u32 $0xD0000000, s2;
	s6 =	simm.s32 $0x108;
	_ =	swait.ge @!p0 [sflag:s8], $0x0  }
0x24: {  	s3 =	sadd.s32 $0x88, s3;
	s6 =	simm.s32 @!p1 $0x1082;
	[sflag:s4] =	ssyncset.s32 $0xFFFFF086  }
0x25: {  	[simem:s6], [sflag:s4] =	dma.local [hbm:s3], $0xF7A  }
0x26: {  	[smem:$0x3F90] =	sst s1;
	(tag) =	ssettag s2;
	_ =	strace s9  }
0x27: {  	s1 =	sld [smem:$0x3FA0]  }
0x28: {  	s2 =	sld [smem:$0x3FA1]  }
0x29: {  	s4 =	sld [smem:$0x3FA3]  }
0x2a: {  	p0 =	seq.s32 s5, $0x0;
	s5 =	sld [smem:$0x3FA4]  }
0x2b: {  	s6 =	sld [smem:$0x3FA5]  }
0x2c: {  	s7 =	sld [smem:$0x3FA6]  }
0x2d: {  	s3 =	simm.s32 $0x108;
	s8 =	sld [smem:$0x3FA7]  }
0x2e: {  	s3 =	simm.s32 @!p0 $0x1082;
	s9 =	sld [smem:$0x3FA8]  }
0x2f: {  	lr =	sadd.s32 s0, s3;
	s0 =	sld [smem:$0x3F9F]  }
0x30: {  	s3 =	sld [smem:$0x3FA2]  }
0x31: {  	[smem:$0x3FAB] =	sst s10  }
0x32: {  	s10 =	sld [smem:$0x3FA9];
	_ =	sdelay $0x3  }
0x33: {  	p0 =	seq.s32 s10, $0x1;
	s10 =	sld [smem:$0x3FAB];
	_ =	sdelay $0x3  }
0x34: {  	[smem:$0x3FAB] =	sst s10  }
0x35: {  	s10 =	sld [smem:$0x3FAA];
	_ =	sdelay $0x3  }
0x36: {  	p1 =	seq.s32 s10, $0x1;
	s10 =	sld [smem:$0x3FAB];
	_ =	sdelay $0x3  }
0x37: {  	[smem:$0x3FAB] =	sst s10  }
0x38: {  	s10 =	sld [smem:$0x3FAC]  }
0x39: {  	_ = 	snop;
	(pc) =	sbr.ind lr, $3  }
0x3a: {  	_ = 	snop  }
0x3b: {  	_ = 	snop  }
0x3c: {  	p2 =	seq.s32 s10, $0x1;
	s10 =	sld [smem:$0x3FAB]  }
0x3d: {  	_ =	shalt  }
0x3e: {  	_ =	shalt  }
0x3f: {  	_ =	shalt  }
0x40: {  	_ =	shalt  }
0x41: {  	_ =	shalt  }
0x42: {  	_ =	shalt  }
0x43: {  	_ =	shalt  }
0x44: {  	_ =	shalt  }
0x45: {  	_ =	shalt  }
0x46: {  	_ =	shalt  }
0x47: {  	_ =	shalt  }
0x48: {  	_ =	shalt  }
0x49: {  	_ =	shalt  }
0x4a: {  	_ =	shalt  }
0x4b: {  	_ =	shalt  }
0x4c: {  	_ =	shalt  }
0x4d: {  	_ =	shalt  }
0x4e: {  	_ =	shalt  }
0x4f: {  	_ =	shalt  }
0x50: {  	_ =	shalt  }
0x51: {  	_ =	shalt  }
0x52: {  	_ =	shalt  }
0x53: {  	_ =	shalt  }
0x54: {  	_ =	shalt  }
0x55: {  	_ =	shalt  }
0x56: {  	_ =	shalt  }
0x57: {  	_ =	shalt  }
0x58: {  	_ =	shalt  }
0x59: {  	_ =	shalt  }
0x5a: {  	_ =	shalt  }
0x5b: {  	_ =	shalt  }
0x5c: {  	_ =	shalt  }
0x5d: {  	_ =	shalt  }
0x5e: {  	_ =	shalt  }
0x5f: {  	_ =	shalt  }
0x60: {  	_ =	shalt  }
0x61: {  	_ =	shalt  }
0x62: {  	_ =	shalt  }
0x63: {  	_ =	shalt  }
0x64: {  	_ =	shalt  }
0x65: {  	_ =	shalt  }
0x66: {  	_ =	shalt  }
0x67: {  	_ =	shalt  }
0x68: {  	_ =	shalt  }
0x69: {  	_ =	shalt  }
0x6a: {  	_ =	shalt  }
0x6b: {  	_ =	shalt  }
0x6c: {  	_ =	shalt  }
0x6d: {  	_ =	shalt  }
0x6e: {  	_ =	shalt  }
0x6f: {  	_ =	shalt  }
0x70: {  	_ =	shalt  }
0x71: {  	_ =	shalt  }
0x72: {  	_ =	shalt  }
0x73: {  	_ =	shalt  }
0x74: {  	_ =	shalt  }
0x75: {  	_ =	shalt  }
0x76: {  	_ =	shalt  }
0x77: {  	_ =	shalt  }
0x78: {  	_ =	shalt  }
0x79: {  	_ =	shalt  }
0x7a: {  	_ =	shalt  }
0x7b: {  	_ =	shalt  }
0x7c: {  	_ =	shalt  }
0x7d: {  	_ =	shalt  }
0x7e: {  	_ =	shalt  }
0x7f: {  	_ =	shalt  }
0x80: {  	_ =	shalt  }
0x81: {  	_ =	shalt  }
0x82: {  	_ =	shalt  }
0x83: {  	_ =	shalt  }
0x84: {  	_ =	shalt  }
0x85: {  	_ =	shalt  }
0x86: {  	_ =	shalt  }
0x87: {  	_ =	shalt  }
.Lfunc_end0:
.L_simem_size_0:
called_computation.2_lowered:
.L_overlay_start_0:
0x88: {  	s2 =	sld [smem:$0x3FD9]  }
0x89: {  	s3 =	sld [smem:$0x3FFE];
	_ =	sdelay $0x1  }
0x8a: {  	s1 =	srdreg.scid  }
0x8b: {  	s0 =	sand.u32 $0x1, s1  }
0x8c: {  	s17 =	sshll.u32 s0, $0xA;
	s2 =	sadd.s32 s3, s2  }
0x8d: {  	s2 =	sadd.s32 s2, s17  }
0x8e: {  	[smem:$0x3FB7] =	sst s2  }
0x8f: {  	_ = 	snop  }
0x90: {  	s2 =	sld [smem:$0x3FD0];
	(tm) =	ssettm $0x1  }
0x91: {  	s18 =	sld [smem:$0x3FFB];
	_ =	sdelay $0x3  }
0x92: {  	_ =	strace s18  }
0x93: {  	s3 =	sld [smem:$0x3FFC];
	_ =	sdelay $0x3  }
0x94: {  	_ =	strace s3  }
0x95: {  	s3 =	sld [smem:$0x3FFD];
	_ =	sdelay $0x3  }
0x96: {  	_ =	strace s3  }
0x97: {  	_ =	strace $0x8FFFFFFF  }
0x98: {  	s19 =	sld [smem:$0x3FDB];
	_ =	sdelay $0x1  }
0x99: {  	s4 =	simm.s32 $_scs_section_size  }
0x9a: {  	s5 =	simm.s32 $_size__tile_overlayer_lowered;
	s6 =	simm.s32 $_tile_overlayer_lowered  }
0x9b: {  	s22 =	simm.s32 $0x1BFF;
	s21 =	sshll.u32 s6, $0x1;
	s3 =	sadd.s32 s4, s19  }
0x9c: {  	s7 =	simm.s32 $0x0;
	s20 =	sshll.u32 s5, $0x1;
	s5 =	sadd.s32 s21, s3  }
0x9d: {  	[timem:s7], [sflag:s22] =	dma.local [hbm:s5], s20  }
0x9e: {  	_ =	swait.ge [sflag:s22], s20  }
0x9f: {  	s4 =	ssub.s32 $0x0, s20;
	[sflag:s22] =	ssyncset.done $0x0  }
0xa0: {  	[sflag:s22] =	ssyncadd.s32 s4;
	_ =	sdelay $0x1  }
0xa1: {  	s23 =	simm.s32 $0x1B8B  }
0xa2: {  	_ =	swait.ge [sflag:s23], $0x1  }
0xa3: {  	[sflag:s23] =	ssyncset.done $0x0  }
0xa4: {  	s25 =	simm.s32 $0x1B8E;
	s24 =	sld [smem:$0x3FFE];
	[sflag:s23] =	ssyncadd.s32 $0xFFFFFFFF  }
0xa5: {  	s26 =	simm.s32 $execute0_lowered;
	[smem:$0x3FD2] =	sst s25  }
0xa6: {  	s5 =	sshll.u32 s26, $0x1;
	_ =	strace $0x8000004C;
	[dreg:$0x1] =	wrdreg $0xFFFFFFFF  }
0xa7: {  	s28 =	simm.s32 $_size_execute0_lowered;
	s3 =	sadd.s32 s3, s5;
	[dreg:$0x0] =	wrdreg $0x0  }
0xa8: {  	s5 =	sshll.u32 s28, $0x1;
	[dreg:$0x2] =	wrdreg s3  }
0xa9: {  	[dreg:$0x3] =	wrdreg s5  }
0xaa: {  	[dreg:$0x4] =	wrdreg $0xC0  }
0xab: {  	_ =	task [dreg:s7], $0x5FFFF  }
0xac: {  	[dreg:$0x1] =	wrdreg $0xFFFFFFFF  }
0xad: {  	[dreg:$0x0] =	wrdreg $0x60  }
0xae: {  	[dreg:$0x2] =	wrdreg s24  }
0xaf: {  	[dreg:$0x3] =	wrdreg s2  }
0xb0: {  	[dreg:$0x4] =	wrdreg $0x0  }
0xb1: {  	[dreg:$0x5] =	wrdreg $0x9  }
0xb2: {  	_ =	task.clear_ibuf [dreg:s7], $0x6FFFF;
	_ =	strace $0x9000004C  }
0xb3: {  	s29 =	simm.s32 $0x9;
	_ =	strace $0x8000004E  }
0xb4: {  	_ =	swait.ge [sflag:s29], $0x1  }
0xb5: {  	[sflag:s29] =	ssyncadd.s32 $0xFFFFFFFF  }
0xb6: {  	_ =	strace $0x9000004E  }
0xb7: {  	_ =	sfence  }
0xb8: {  	s30 =	sld [smem:$0x0];
	_ =	sdelay $0x2  }
0xb9: {  	s31 =	sshll.u32 s1, $0xD;
	s1 =	sshrl.u32 s1, $0x2  }
0xba: {  	s3 =	sand.u32 $0x4000, s31;
	s1 =	sadd.s32 s1, s30  }
0xbb: {  	s0 =	sor.u32 s3, s0;
	s1 =	sshll.u32 s1, $0x11  }
0xbc: {  	s0 =	sor.u32 s1, s0  }
0xbd: {  	s0 =	sadd.s32 $0x8F2B, s0  }
0xbe: {  	[sflag:s0] =	ssyncadd.remote.s32 $0x1  }
0xbf: {  	_ =	sfence.sel $0xFFFF  }
0xc0: {  	[dreg:$0x0] =	wrdreg $0xFFFFFFFF;
	(pc) =	sbr.abs _section_cstart, $3  }
0xc1: {  	[dreg:$0x1] =	wrdreg $0xFFFFFFFF  }
0xc2: {  	_ =	task.clear_ibuf [dreg:s7], $0x2FFFF;
	_ =	strace $0x9FFFFFFF  }
0xc3: {  	(tm) =	ssettm $0x7FFFFFFF  }
tec
execute0_lowered:
.L_overlay_start_1:
0x0: {  	(tag) =	ssettag $0x1  }
0x1: {  	s6 =	rddreg [dreg:$0x0]  }
0x2: {  	s8 =	rddreg [dreg:$0x1]  }
0x3: {  	s2 =	rddreg [dreg:$0x2]  }
0x4: {  	s1 =	srdreg.scid;
	s0 =	rddreg [dreg:$0x3]  }
0x5: {  	s3 =	simm.s32 $0x0;
	s15 =	simm.s32 $0x80;
	s16 =	simm.s32 $0x18C00  }
0x6: {  	s17 =	simm.s32 $0x1;
	s7 =	sand.u32 $0x1, s1;
	s1 =	stileid.u32  }
0x7: {  	s18 =	simm.s32 $0x0;
	[smem:$0x7FF] =	sst s3;
	s5 =	smul.u32 $0x13C000, s7  }
0x8: {  	s4 =	sshll.u32 s7, $0x4;
	s9 =	smul.u32 $0x13C00, s1;
	_ =	strace $0x8000004D  }
0x9: {  	s12 =	smul.u32 $0x4F000, s1;
	s31 =	ssub.s32 $0x2, s7;
	s4 =	sor.u32 s1, s4  }
0xa: {  	s13 =	sshll.u32 s1, $0x6;
	s7 =	sshrl.u32 s31, $0x1;
	s10 =	smul.u32 $0x500, s4  }
0xb: {  	s4 =	sadd.s32 $0xF000, s6;
	s5 =	sadd.s32 s9, s5;
	s12 =	sshrl.u32 s12, $0x2  }
0xc: {  	s14 =	ssub.s32 s31, s7;
	s11 =	sshrl.u32 s5, $0x3;
	s5 =	sadd.s32 $0x36800, s6  }
0xd: {  	s12 =	sadd.s32 s12, s2;
	s30 =	sadd.s32 s10, s6;
	s11 =	sadd.s32 s11, s6  }
0xe: {  	s6 =	sor.u32 $0x1C02, s13;
	s8 =	sadd.s32 s8, s10;
	s10 =	smax.u32 s14, $0x1  }
0xf: {  	s13 =	simm.s32 $0x13C00;
	s14 =	simm.s32 $0x16400;
	s7 =	sadd.s32 $0x5000, s30  }
0x10: {  	s9 =	sadd.s32 $0x39000, s11;
	s11 =	sshrl.u32 s12, $0x3;
	s12 =	simm.s32 $0x2  }
.LBB2_1:
0x11: {  	[spmem:s11], [sflag:s6] =	dma.local [hbm:s5], $0x2780  }
0x12: {  	_ =	swait.ge [sflag:s12], $0x2780  }
0x13: {  	[sflag:s12] =	ssyncset.done $0x0  }
0x14: {  	[sflag:s12] =	ssyncadd.s32 $0xFFFFD880  }
0x15: {  	[tilespmem:s13], [sflag:$0x2] =	stream.linear.gather [hbm4b:s7+s3], $0x2780, $0x38;
	[tilespmem:$0x1CC00] =	vst v63  }
0x16: {  	_ =	swait.ge [sflag:s12], $0x2780  }
0x17: {  	[sflag:s12] =	ssyncset.done $0x0  }
0x18: {  	[sflag:s12] =	ssyncadd.s32 $0xFFFFD880  }
0x19: {  	[tilespmem:s14], [sflag:$0x2] =	stream.linear.gather [hbm4b:s8+s3], $0x2780, $0x38;
	[tilespmem:$0x1CC00] =	vst v63  }
0x1a: {  	_ =	swait.ge [sflag:s12], $0x2780  }
0x1b: {  	[sflag:s12] =	ssyncset.done $0x0  }
0x1c: {  	[sflag:s12] =	ssyncadd.s32 $0xFFFFD880  }
0x1d: {  	s19 =	simm.s32 $0x13C00;
	[bflag:$0x0] =	sbarrier.arrive $0xFFFF  }
0x1e: {  	[tilespmem:s16], [sflag:$0x1] =	stream.indirect.gather [hbm4b:s4+s15], $0x80, s19, s15, $0xb8;
	[tilespmem:$0x1CC00] =	vst v63  }
0x1f: {  	_ =	swait.ge [sflag:s17], $0x4000  }
0x20: {  	[sflag:s17] =	ssyncset.done $0x0  }
0x21: {  	s31 =	simm.s32 $0x16400;
	[sflag:s17] =	ssyncadd.s32 $0xFFFFC000  }
0x22: {  	[spmem:s2] =	stream.indirect.scatter.add.f32 [tilespmem:s16], [sflag:$0x1], $0x80, s31, s15, $0xb8;
	[tilespmem:$0x1CC00] =	vst v63  }
0x23: {  	_ =	swait.ge [sflag:s17], $0x4000  }
0x24: {  	s20 =	simm.s32 $0x400;
	s19 =	simm.s32 $0x80;
	[sflag:s17] =	ssyncset.done $0x0  }
.LBB2_2:
0x25: {  	s21 =	sadd.s32 $0x13C00, s19  }
0x26: {  	[sflag:s17] =	ssyncadd.s32 $0xFFFFC000;
	s22 =	smov.u32 s20;
	s23 =	sadd.s32 $0x200, s20  }
0x27: {  	[tilespmem:s16], [sflag:$0x1] =	stream.indirect.gather [hbm4b:s4+s15], $0x80, s21, s15, $0xb8;
	[tilespmem:$0x1CC00] =	vst v63  }
0x28: {  	p0 =	sne.s32 s20, $0x9C00;
	_ =	swait.ge [sflag:s17], $0x4000  }
.Ltmp0:
0x29: {  	[sflag:s17] =	ssyncset.done $0x0;
	(pc) =	sbr.rel @p0 .LBB2_2-.Ltmp0, $4  }
0x2a: {  	s19 =	sadd.s32 $0x16400, s19;
	[sflag:s17] =	ssyncadd.s32 $0xFFFFC000  }
0x2b: {  	[spmem:s2] =	stream.indirect.scatter.add.f32 [tilespmem:s16], [sflag:$0x1], $0x80, s19, s15, $0xb8;
	[tilespmem:$0x1CC00] =	vst v63  }
0x2c: {  	_ =	swait.ge [sflag:s17], $0x4000  }
0x2d: {  	s20 =	smov.u32 s23;
	s19 =	sshra.s32 s22, $0x2;
	[sflag:s17] =	ssyncset.done $0x0  }
0x2e: {  	s20 =	sadd.s32 $0x13C00, s19;
	[sflag:s17] =	ssyncadd.s32 $0xFFFFC000  }
0x2f: {  	[tilespmem:s16], [sflag:$0x1] =	stream.indirect.gather [hbm4b:s4+s15], $0x80, s20, s15, $0xb8;
	[tilespmem:$0x1CC00] =	vst v63  }
0x30: {  	_ =	swait.ge [sflag:s17], $0x4000  }
0x31: {  	[sflag:s17] =	ssyncset.done $0x0  }
0x32: {  	s31 =	sadd.s32 $0x16400, s19;
	[sflag:s17] =	ssyncadd.s32 $0xFFFFC000  }
0x33: {  	[spmem:s2] =	stream.indirect.scatter.add.f32 [tilespmem:s16], [sflag:$0x1], $0x80, s31, s15, $0xb8;
	[tilespmem:$0x1CC00] =	vst v63  }
0x34: {  	_ =	swait.ge [sflag:s17], $0x4000  }
0x35: {  	s18 =	sadd.s32 $0x1, s18;
	[sflag:s17] =	ssyncset.done $0x0  }
0x36: {  	p0 =	sne.s32 s18, s10;
	[sflag:s17] =	ssyncadd.s32 $0xFFFFC000  }
.Ltmp1:
0x37: {  	[bflag:$0x0] =	sbarrier.arrive $0xFFFF;
	(pc) =	sbr.rel @p0 .LBB2_1-.Ltmp1, $4  }
0x38: {  	[hbm:s9], [sflag:s6] =	dma.local [spmem:s11], $0x2780  }
0x39: {  	_ =	swait.ge [sflag:s12], $0x2780  }
0x3a: {  	[sflag:s12] =	ssyncset.done $0x0  }
0x3b: {  	[sflag:s12] =	ssyncadd.s32 $0xFFFFD880  }
0x3c: {  	_ =	sfence.sel $0x180000  }
0x3d: {  	[bflag:$0x0] =	sbarrier.arrive $0xFFFF  }
0x3e: {  	p0 =	sne.s32 s1, $0x0;
	_ =	strace $0x9000004D  }
0x3f: {  	s0 =	sadd.s32 @!p0 $0x100000, s0;
	[bflag:$0x2] =	sbarrier.arrive $0xFFFF  }
0x40: {  	[sflag:s0] =	ssyncadd.tile.s32 @!p0 $0x1;
	_ =	shalt  }
.Lfunc_end2:
_tile_overlayer_lowered:
.L_overlay_start_2:
0x41: {  	(tag) =	ssettag $0x2  }
0x42: {  	s0 =	rddreg [dreg:$0x0];
	s2 =	stileid.u32  }
0x43: {  	s1 =	rddreg [dreg:$0x1];
	p0 =	sne.s32 s2, $0x0  }
0x44: {  	s3 =	rddreg [dreg:$0x2];
	[bflag:$0x3] =	sbarrier.arrive $0xFFFF;
	s2 =	simm.s32 @!p0 $0x1C02  }
0x45: {  	[timem:s3], [sflag:s2] =	dma.local @!p0 [hbm:s0], s1  }
0x46: {  	s0 =	simm.s32 @!p0 $0x2  }
0x47: {  	_ =	swait.ge @!p0 [sflag:s0], s1  }
0x48: {  	s1 =	ssub.s32 @!p0 $0x0, s1;
	[sflag:s0] =	ssyncset.done @!p0 $0x0  }
0x49: {  	[sflag:s0] =	ssyncadd.s32 @!p0 s1  }
0x4a: {  	[bflag:$0x3] =	sbarrier.arrive $0xFFFF  }
0x4b: {  	_ =	shalt  }

// kernel: kernel.18.cloned.1.call-start
scs
__scs_entry_jumppad:
0x0: {  	(pc) =	sbr.rel $0x88, $3  }
0x1: {  	(tag) =	ssettag $0x0;
	lr =	simm.s32 $0x1  }
0x2: {  	[smem:$0x3F90] =	sst lr;
	_ =	strace $0xD0000000  }
0x3: {  	_ = 	snop  }
0x4: {  	_ = 	snop  }
0x5: {  	_ = 	snop  }
0x6: {  	_ = 	snop  }
0x7: {  	_ = 	snop  }
__scs_overlays_trampoline_lowered:
0x8: {  	[smem:$0x3F9F] =	sst s0  }
0x9: {  	[smem:$0x3FA0] =	sst s1  }
0xa: {  	[smem:$0x3FA1] =	sst s2  }
0xb: {  	[smem:$0x3FA2] =	sst s3  }
0xc: {  	[smem:$0x3FA3] =	sst s4  }
0xd: {  	[smem:$0x3FA4] =	sst s5  }
0xe: {  	[smem:$0x3FA5] =	sst s6  }
0xf: {  	[smem:$0x3FA6] =	sst s7  }
0x10: {  	[smem:$0x3FA7] =	sst s8  }
0x11: {  	[smem:$0x3FA8] =	sst s9;
	s0 =	simm.s32 @!p0 $0x0  }
0x12: {  	s1 =	sld [smem:$0x3F8E];
	s0 =	simm.s32 @p0 $0x1  }
0x13: {  	[smem:$0x3FA9] =	sst s0;
	s0 =	simm.s32 @!p1 $0x0  }
0x14: {  	s2 =	sld [smem:$0x3F8D];
	s0 =	simm.s32 @p1 $0x1  }
0x15: {  	[smem:$0x3FAA] =	sst s0;
	s0 =	simm.s32 @!p2 $0x0  }
0x16: {  	s3 =	sld [smem:$0x3FDB];
	s0 =	simm.s32 @p2 $0x1  }
0x17: {  	s4 =	simm.s32 $0x1BF5;
	[smem:$0x3FAC] =	sst s0  }
0x18: {  	s0 =	sld [smem:$0x3F8F];
	_ =	swait.ge [sflag:s4], $0x0  }
0x19: {  	s7 =	sld [smem:$0x3F90]  }
0x1a: {  	s8 =	sadd.s32 $0xFFFFE003, lr  }
0x1b: {  	s9 =	sadd.s32 $0xFFFFFEF7, lr;
	s5 =	simm.s32 $0xFFFFFFFF;
	p2 =	slt.u32 s8, $0xFFFFF086  }
0x1c: {  	p1 =	slt.u32 s9, $0xF7A;
	s5 =	simm.s32 @!p2 $0x0  }
0x1d: {  	s5 =	simm.s32 @p1 $0x1;
	p0 =	seq.s32 s7, s2  }
0x1e: {  	s7 =	smul.u32 @!p0 $0xF7A, s2;
	p2 =	seq.s32 @!p0 s5, $0x0  }
0x1f: {  	s9 =	smul.u32 $0xF7A, s1;
	s8 =	simm.s32 @!p0 $0x1BF5;
	p2 =	por !p2, p0  }
0x20: {  	[sflag:s8] =	ssyncset.s32 @!p0 $0xFFFFF086;
	s6 =	sadd.s32 @!p0 s3, s7;
	s7 =	simm.s32 @!p0 $0x108  }
0x21: {  	s3 =	sadd.s32 s3, s9;
	s6 =	sadd.s32 @!p0 $0x88, s6;
	s7 =	simm.s32 @p2 $0x1082  }
0x22: {  	[simem:s7], [sflag:s8] =	dma.local @!p0 [hbm:s6], $0xF7A  }
0x23: {  	s9 =	sor.u32 $0xD0000000, s2;
	s6 =	simm.s32 $0x108;
	_ =	swait.ge @!p0 [sflag:s8], $0x0  }
0x24: {  	s3 =	sadd.s32 $0x88, s3;
	s6 =	simm.s32 @!p1 $0x1082;
	[sflag:s4] =	ssyncset.s32 $0xFFFFF086  }
0x25: {  	[simem:s6], [sflag:s4] =	dma.local [hbm:s3], $0xF7A  }
0x26: {  	[smem:$0x3F90] =	sst s1;
	(tag) =	ssettag s2;
	_ =	strace s9  }
0x27: {  	s1 =	sld [smem:$0x3FA0]  }
0x28: {  	s2 =	sld [smem:$0x3FA1]  }
0x29: {  	s4 =	sld [smem:$0x3FA3]  }
0x2a: {  	p0 =	seq.s32 s5, $0x0;
	s5 =	sld [smem:$0x3FA4]  }
0x2b: {  	s6 =	sld [smem:$0x3FA5]  }
0x2c: {  	s7 =	sld [smem:$0x3FA6]  }
0x2d: {  	s3 =	simm.s32 $0x108;
	s8 =	sld [smem:$0x3FA7]  }
0x2e: {  	s3 =	simm.s32 @!p0 $0x1082;
	s9 =	sld [smem:$0x3FA8]  }
0x2f: {  	lr =	sadd.s32 s0, s3;
	s0 =	sld [smem:$0x3F9F]  }
0x30: {  	s3 =	sld [smem:$0x3FA2]  }
0x31: {  	[smem:$0x3FAB] =	sst s10  }
0x32: {  	s10 =	sld [smem:$0x3FA9];
	_ =	sdelay $0x3  }
0x33: {  	p0 =	seq.s32 s10, $0x1;
	s10 =	sld [smem:$0x3FAB];
	_ =	sdelay $0x3  }
0x34: {  	[smem:$0x3FAB] =	sst s10  }
0x35: {  	s10 =	sld [smem:$0x3FAA];
	_ =	sdelay $0x3  }
0x36: {  	p1 =	seq.s32 s10, $0x1;
	s10 =	sld [smem:$0x3FAB];
	_ =	sdelay $0x3  }
0x37: {  	[smem:$0x3FAB] =	sst s10  }
0x38: {  	s10 =	sld [smem:$0x3FAC]  }
0x39: {  	_ = 	snop;
	(pc) =	sbr.ind lr, $3  }
0x3a: {  	_ = 	snop  }
0x3b: {  	_ = 	snop  }
0x3c: {  	p2 =	seq.s32 s10, $0x1;
	s10 =	sld [smem:$0x3FAB]  }
0x3d: {  	_ =	shalt  }
0x3e: {  	_ =	shalt  }
0x3f: {  	_ =	shalt  }
0x40: {  	_ =	shalt  }
0x41: {  	_ =	shalt  }
0x42: {  	_ =	shalt  }
0x43: {  	_ =	shalt  }
0x44: {  	_ =	shalt  }
0x45: {  	_ =	shalt  }
0x46: {  	_ =	shalt  }
0x47: {  	_ =	shalt  }
0x48: {  	_ =	shalt  }
0x49: {  	_ =	shalt  }
0x4a: {  	_ =	shalt  }
0x4b: {  	_ =	shalt  }
0x4c: {  	_ =	shalt  }
0x4d: {  	_ =	shalt  }
0x4e: {  	_ =	shalt  }
0x4f: {  	_ =	shalt  }
0x50: {  	_ =	shalt  }
0x51: {  	_ =	shalt  }
0x52: {  	_ =	shalt  }
0x53: {  	_ =	shalt  }
0x54: {  	_ =	shalt  }
0x55: {  	_ =	shalt  }
0x56: {  	_ =	shalt  }
0x57: {  	_ =	shalt  }
0x58: {  	_ =	shalt  }
0x59: {  	_ =	shalt  }
0x5a: {  	_ =	shalt  }
0x5b: {  	_ =	shalt  }
0x5c: {  	_ =	shalt  }
0x5d: {  	_ =	shalt  }
0x5e: {  	_ =	shalt  }
0x5f: {  	_ =	shalt  }
0x60: {  	_ =	shalt  }
0x61: {  	_ =	shalt  }
0x62: {  	_ =	shalt  }
0x63: {  	_ =	shalt  }
0x64: {  	_ =	shalt  }
0x65: {  	_ =	shalt  }
0x66: {  	_ =	shalt  }
0x67: {  	_ =	shalt  }
0x68: {  	_ =	shalt  }
0x69: {  	_ =	shalt  }
0x6a: {  	_ =	shalt  }
0x6b: {  	_ =	shalt  }
0x6c: {  	_ =	shalt  }
0x6d: {  	_ =	shalt  }
0x6e: {  	_ =	shalt  }
0x6f: {  	_ =	shalt  }
0x70: {  	_ =	shalt  }
0x71: {  	_ =	shalt  }
0x72: {  	_ =	shalt  }
0x73: {  	_ =	shalt  }
0x74: {  	_ =	shalt  }
0x75: {  	_ =	shalt  }
0x76: {  	_ =	shalt  }
0x77: {  	_ =	shalt  }
0x78: {  	_ =	shalt  }
0x79: {  	_ =	shalt  }
0x7a: {  	_ =	shalt  }
0x7b: {  	_ =	shalt  }
0x7c: {  	_ =	shalt  }
0x7d: {  	_ =	shalt  }
0x7e: {  	_ =	shalt  }
0x7f: {  	_ =	shalt  }
0x80: {  	_ =	shalt  }
0x81: {  	_ =	shalt  }
0x82: {  	_ =	shalt  }
0x83: {  	_ =	shalt  }
0x84: {  	_ =	shalt  }
0x85: {  	_ =	shalt  }
0x86: {  	_ =	shalt  }
0x87: {  	_ =	shalt  }
.Lfunc_end0:
.L_simem_size_0:
called_computation.3_lowered:
.L_overlay_start_0:
0x88: {  	s2 =	sld [smem:$0x3FD9]  }
0x89: {  	s3 =	sld [smem:$0x3FFE];
	_ =	sdelay $0x1  }
0x8a: {  	s1 =	srdreg.scid  }
0x8b: {  	s0 =	sand.u32 $0x1, s1  }
0x8c: {  	s17 =	sshll.u32 s0, $0xA;
	s2 =	sadd.s32 s3, s2  }
0x8d: {  	s2 =	sadd.s32 s2, s17  }
0x8e: {  	[smem:$0x3FB7] =	sst s2  }
0x8f: {  	_ = 	snop  }
0x90: {  	s2 =	sld [smem:$0x3FD0];
	(tm) =	ssettm $0x1  }
0x91: {  	s18 =	sld [smem:$0x3FFB];
	_ =	sdelay $0x3  }
0x92: {  	_ =	strace s18  }
0x93: {  	s3 =	sld [smem:$0x3FFC];
	_ =	sdelay $0x3  }
0x94: {  	_ =	strace s3  }
0x95: {  	s3 =	sld [smem:$0x3FFD];
	_ =	sdelay $0x3  }
0x96: {  	_ =	strace s3  }
0x97: {  	_ =	strace $0x8FFFFFFF  }
0x98: {  	s19 =	sld [smem:$0x3FDB];
	_ =	sdelay $0x1  }
0x99: {  	s4 =	simm.s32 $_scs_section_size  }
0x9a: {  	s5 =	simm.s32 $_size__tile_overlayer_lowered;
	s6 =	simm.s32 $_tile_overlayer_lowered  }
0x9b: {  	s22 =	simm.s32 $0x1BFF;
	s21 =	sshll.u32 s6, $0x1;
	s3 =	sadd.s32 s4, s19  }
0x9c: {  	s7 =	simm.s32 $0x0;
	s20 =	sshll.u32 s5, $0x1;
	s5 =	sadd.s32 s21, s3  }
0x9d: {  	[timem:s7], [sflag:s22] =	dma.local [hbm:s5], s20  }
0x9e: {  	_ =	swait.ge [sflag:s22], s20  }
0x9f: {  	s4 =	ssub.s32 $0x0, s20;
	[sflag:s22] =	ssyncset.done $0x0  }
0xa0: {  	[sflag:s22] =	ssyncadd.s32 s4;
	_ =	sdelay $0x1  }
0xa1: {  	s23 =	simm.s32 $0x1B8B  }
0xa2: {  	_ =	swait.ge [sflag:s23], $0x1  }
0xa3: {  	[sflag:s23] =	ssyncset.done $0x0  }
0xa4: {  	s25 =	simm.s32 $0x1B8E;
	s24 =	sld [smem:$0x3FFE];
	[sflag:s23] =	ssyncadd.s32 $0xFFFFFFFF  }
0xa5: {  	s26 =	simm.s32 $execute0_lowered;
	[smem:$0x3FD2] =	sst s25  }
0xa6: {  	s5 =	sshll.u32 s26, $0x1;
	_ =	strace $0x8000004F;
	[dreg:$0x1] =	wrdreg $0xFFFFFFFF  }
0xa7: {  	s28 =	simm.s32 $_size_execute0_lowered;
	s3 =	sadd.s32 s3, s5;
	[dreg:$0x0] =	wrdreg $0x0  }
0xa8: {  	s5 =	sshll.u32 s28, $0x1;
	[dreg:$0x2] =	wrdreg s3  }
0xa9: {  	[dreg:$0x3] =	wrdreg s5  }
0xaa: {  	[dreg:$0x4] =	wrdreg $0xC0  }
0xab: {  	_ =	task [dreg:s7], $0x5FFFF  }
0xac: {  	[dreg:$0x1] =	wrdreg $0xFFFFFFFF  }
0xad: {  	[dreg:$0x0] =	wrdreg $0x60  }
0xae: {  	[dreg:$0x2] =	wrdreg s24  }
0xaf: {  	[dreg:$0x3] =	wrdreg s2  }
0xb0: {  	[dreg:$0x4] =	wrdreg $0x0  }
0xb1: {  	[dreg:$0x5] =	wrdreg $0x9  }
0xb2: {  	_ =	task.clear_ibuf [dreg:s7], $0x6FFFF;
	_ =	strace $0x9000004F  }
0xb3: {  	s29 =	simm.s32 $0x9;
	_ =	strace $0x80000051  }
0xb4: {  	_ =	swait.ge [sflag:s29], $0x1  }
0xb5: {  	[sflag:s29] =	ssyncadd.s32 $0xFFFFFFFF  }
0xb6: {  	_ =	strace $0x90000051  }
0xb7: {  	_ =	sfence  }
0xb8: {  	s30 =	sld [smem:$0x0];
	_ =	sdelay $0x2  }
0xb9: {  	s31 =	sshll.u32 s1, $0xD;
	s1 =	sshrl.u32 s1, $0x2  }
0xba: {  	s3 =	sand.u32 $0x4000, s31;
	s1 =	sadd.s32 s1, s30  }
0xbb: {  	s0 =	sor.u32 s3, s0;
	s1 =	sshll.u32 s1, $0x11  }
0xbc: {  	s0 =	sor.u32 s1, s0  }
0xbd: {  	s0 =	sadd.s32 $0x8F2B, s0  }
0xbe: {  	[sflag:s0] =	ssyncadd.remote.s32 $0x1  }
0xbf: {  	_ =	sfence.sel $0xFFFF  }
0xc0: {  	[dreg:$0x0] =	wrdreg $0xFFFFFFFF;
	(pc) =	sbr.abs _section_cstart, $3  }
0xc1: {  	[dreg:$0x1] =	wrdreg $0xFFFFFFFF  }
0xc2: {  	_ =	task.clear_ibuf [dreg:s7], $0x2FFFF;
	_ =	strace $0x9FFFFFFF  }
0xc3: {  	(tm) =	ssettm $0x7FFFFFFF  }
tec
execute0_lowered:
.L_overlay_start_1:
0x0: {  	(tag) =	ssettag $0x1  }
0x1: {  	s6 =	rddreg [dreg:$0x0]  }
0x2: {  	s8 =	rddreg [dreg:$0x1]  }
0x3: {  	s2 =	rddreg [dreg:$0x2]  }
0x4: {  	s1 =	srdreg.scid;
	s0 =	rddreg [dreg:$0x3]  }
0x5: {  	s3 =	simm.s32 $0x0;
	s15 =	simm.s32 $0x80;
	s16 =	simm.s32 $0x18C00  }
0x6: {  	s17 =	simm.s32 $0x1;
	s7 =	sand.u32 $0x1, s1;
	s1 =	stileid.u32  }
0x7: {  	s18 =	simm.s32 $0x0;
	[smem:$0x7FF] =	sst s3;
	s5 =	smul.u32 $0x13C000, s7  }
0x8: {  	s4 =	sshll.u32 s7, $0x4;
	s9 =	smul.u32 $0x13C00, s1;
	_ =	strace $0x80000050  }
0x9: {  	s12 =	smul.u32 $0x4F000, s1;
	s31 =	ssub.s32 $0x2, s7;
	s4 =	sor.u32 s1, s4  }
0xa: {  	s13 =	sshll.u32 s1, $0x6;
	s7 =	sshrl.u32 s31, $0x1;
	s10 =	smul.u32 $0x500, s4  }
0xb: {  	s4 =	sadd.s32 $0xF000, s6;
	s5 =	sadd.s32 s9, s5;
	s12 =	sshrl.u32 s12, $0x2  }
0xc: {  	s14 =	ssub.s32 s31, s7;
	s11 =	sshrl.u32 s5, $0x3;
	s5 =	sadd.s32 $0x36800, s6  }
0xd: {  	s12 =	sadd.s32 s12, s2;
	s30 =	sadd.s32 s10, s6;
	s11 =	sadd.s32 s11, s6  }
0xe: {  	s6 =	sor.u32 $0x1C02, s13;
	s8 =	sadd.s32 s8, s10;
	s10 =	smax.u32 s14, $0x1  }
0xf: {  	s13 =	simm.s32 $0x13C00;
	s14 =	simm.s32 $0x16400;
	s7 =	sadd.s32 $0x5000, s30  }
0x10: {  	s9 =	sadd.s32 $0x39000, s11;
	s11 =	sshrl.u32 s12, $0x3;
	s12 =	simm.s32 $0x2  }
.LBB2_1:
0x11: {  	[spmem:s11], [sflag:s6] =	dma.local [hbm:s5], $0x2780  }
0x12: {  	_ =	swait.ge [sflag:s12], $0x2780  }
0x13: {  	[sflag:s12] =	ssyncset.done $0x0  }
0x14: {  	[sflag:s12] =	ssyncadd.s32 $0xFFFFD880  }
0x15: {  	[tilespmem:s13], [sflag:$0x2] =	stream.linear.gather [hbm4b:s7+s3], $0x2780, $0x38;
	[tilespmem:$0x1CC00] =	vst v63  }
0x16: {  	_ =	swait.ge [sflag:s12], $0x2780  }
0x17: {  	[sflag:s12] =	ssyncset.done $0x0  }
0x18: {  	[sflag:s12] =	ssyncadd.s32 $0xFFFFD880  }
0x19: {  	[tilespmem:s14], [sflag:$0x2] =	stream.linear.gather [hbm4b:s8+s3], $0x2780, $0x38;
	[tilespmem:$0x1CC00] =	vst v63  }
0x1a: {  	_ =	swait.ge [sflag:s12], $0x2780  }
0x1b: {  	[sflag:s12] =	ssyncset.done $0x0  }
0x1c: {  	[sflag:s12] =	ssyncadd.s32 $0xFFFFD880  }
0x1d: {  	s19 =	simm.s32 $0x13C00;
	[bflag:$0x0] =	sbarrier.arrive $0xFFFF  }
0x1e: {  	[tilespmem:s16], [sflag:$0x1] =	stream.indirect.gather [hbm4b:s4+s15], $0x80, s19, s15, $0xb8;
	[tilespmem:$0x1CC00] =	vst v63  }
0x1f: {  	_ =	swait.ge [sflag:s17], $0x4000  }
0x20: {  	[sflag:s17] =	ssyncset.done $0x0  }
0x21: {  	s31 =	simm.s32 $0x16400;
	[sflag:s17] =	ssyncadd.s32 $0xFFFFC000  }
0x22: {  	[spmem:s2] =	stream.indirect.scatter.add.f32 [tilespmem:s16], [sflag:$0x1], $0x80, s31, s15, $0xb8;
	[tilespmem:$0x1CC00] =	vst v63  }
0x23: {  	_ =	swait.ge [sflag:s17], $0x4000  }
0x24: {  	s20 =	simm.s32 $0x400;
	s19 =	simm.s32 $0x80;
	[sflag:s17] =	ssyncset.done $0x0  }
.LBB2_2:
0x25: {  	s21 =	sadd.s32 $0x13C00, s19  }
0x26: {  	[sflag:s17] =	ssyncadd.s32 $0xFFFFC000;
	s22 =	smov.u32 s20;
	s23 =	sadd.s32 $0x200, s20  }
0x27: {  	[tilespmem:s16], [sflag:$0x1] =	stream.indirect.gather [hbm4b:s4+s15], $0x80, s21, s15, $0xb8;
	[tilespmem:$0x1CC00] =	vst v63  }
0x28: {  	p0 =	sne.s32 s20, $0x9C00;
	_ =	swait.ge [sflag:s17], $0x4000  }
.Ltmp0:
0x29: {  	[sflag:s17] =	ssyncset.done $0x0;
	(pc) =	sbr.rel @p0 .LBB2_2-.Ltmp0, $4  }
0x2a: {  	s19 =	sadd.s32 $0x16400, s19;
	[sflag:s17] =	ssyncadd.s32 $0xFFFFC000  }
0x2b: {  	[spmem:s2] =	stream.indirect.scatter.add.f32 [tilespmem:s16], [sflag:$0x1], $0x80, s19, s15, $0xb8;
	[tilespmem:$0x1CC00] =	vst v63  }
0x2c: {  	_ =	swait.ge [sflag:s17], $0x4000  }
0x2d: {  	s20 =	smov.u32 s23;
	s19 =	sshra.s32 s22, $0x2;
	[sflag:s17] =	ssyncset.done $0x0  }
0x2e: {  	s20 =	sadd.s32 $0x13C00, s19;
	[sflag:s17] =	ssyncadd.s32 $0xFFFFC000  }
0x2f: {  	[tilespmem:s16], [sflag:$0x1] =	stream.indirect.gather [hbm4b:s4+s15], $0x80, s20, s15, $0xb8;
	[tilespmem:$0x1CC00] =	vst v63  }
0x30: {  	_ =	swait.ge [sflag:s17], $0x4000  }
0x31: {  	[sflag:s17] =	ssyncset.done $0x0  }
0x32: {  	s31 =	sadd.s32 $0x16400, s19;
	[sflag:s17] =	ssyncadd.s32 $0xFFFFC000  }
0x33: {  	[spmem:s2] =	stream.indirect.scatter.add.f32 [tilespmem:s16], [sflag:$0x1], $0x80, s31, s15, $0xb8;
	[tilespmem:$0x1CC00] =	vst v63  }
0x34: {  	_ =	swait.ge [sflag:s17], $0x4000  }
0x35: {  	s18 =	sadd.s32 $0x1, s18;
	[sflag:s17] =	ssyncset.done $0x0  }
0x36: {  	p0 =	sne.s32 s18, s10;
	[sflag:s17] =	ssyncadd.s32 $0xFFFFC000  }
.Ltmp1:
0x37: {  	[bflag:$0x0] =	sbarrier.arrive $0xFFFF;
	(pc) =	sbr.rel @p0 .LBB2_1-.Ltmp1, $4  }
0x38: {  	[hbm:s9], [sflag:s6] =	dma.local [spmem:s11], $0x2780  }
0x39: {  	_ =	swait.ge [sflag:s12], $0x2780  }
0x3a: {  	[sflag:s12] =	ssyncset.done $0x0  }
0x3b: {  	[sflag:s12] =	ssyncadd.s32 $0xFFFFD880  }
0x3c: {  	_ =	sfence.sel $0x180000  }
0x3d: {  	[bflag:$0x0] =	sbarrier.arrive $0xFFFF  }
0x3e: {  	p0 =	sne.s32 s1, $0x0;
	_ =	strace $0x90000050  }
0x3f: {  	s0 =	sadd.s32 @!p0 $0x100000, s0;
	[bflag:$0x2] =	sbarrier.arrive $0xFFFF  }
0x40: {  	[sflag:s0] =	ssyncadd.tile.s32 @!p0 $0x1;
	_ =	shalt  }
.Lfunc_end2:
_tile_overlayer_lowered:
.L_overlay_start_2:
0x41: {  	(tag) =	ssettag $0x2  }
0x42: {  	s0 =	rddreg [dreg:$0x0];
	s2 =	stileid.u32  }
0x43: {  	s1 =	rddreg [dreg:$0x1];
	p0 =	sne.s32 s2, $0x0  }
0x44: {  	s3 =	rddreg [dreg:$0x2];
	[bflag:$0x3] =	sbarrier.arrive $0xFFFF;
	s2 =	simm.s32 @!p0 $0x1C02  }
0x45: {  	[timem:s3], [sflag:s2] =	dma.local @!p0 [hbm:s0], s1  }
0x46: {  	s0 =	simm.s32 @!p0 $0x2  }
0x47: {  	_ =	swait.ge @!p0 [sflag:s0], s1  }
0x48: {  	s1 =	ssub.s32 @!p0 $0x0, s1;
	[sflag:s0] =	ssyncset.done @!p0 $0x0  }
0x49: {  	[sflag:s0] =	ssyncadd.s32 @!p0 s1  }
0x4a: {  	[bflag:$0x3] =	sbarrier.arrive $0xFFFF  }
0x4b: {  	_ =	shalt  }

// kernel: kernel.9.cloned.1.call-start
scs
__scs_entry_jumppad:
0x0: {  	(pc) =	sbr.rel $0x88, $3  }
0x1: {  	(tag) =	ssettag $0x0;
	lr =	simm.s32 $0x1  }
0x2: {  	[smem:$0x3F90] =	sst lr;
	_ =	strace $0xD0000000  }
0x3: {  	_ = 	snop  }
0x4: {  	_ = 	snop  }
0x5: {  	_ = 	snop  }
0x6: {  	_ = 	snop  }
0x7: {  	_ = 	snop  }
__scs_overlays_trampoline_lowered:
0x8: {  	[smem:$0x3F9F] =	sst s0  }
0x9: {  	[smem:$0x3FA0] =	sst s1  }
0xa: {  	[smem:$0x3FA1] =	sst s2  }
0xb: {  	[smem:$0x3FA2] =	sst s3  }
0xc: {  	[smem:$0x3FA3] =	sst s4  }
0xd: {  	[smem:$0x3FA4] =	sst s5  }
0xe: {  	[smem:$0x3FA5] =	sst s6  }
0xf: {  	[smem:$0x3FA6] =	sst s7  }
0x10: {  	[smem:$0x3FA7] =	sst s8  }
0x11: {  	[smem:$0x3FA8] =	sst s9;
	s0 =	simm.s32 @!p0 $0x0  }
0x12: {  	s1 =	sld [smem:$0x3F8E];
	s0 =	simm.s32 @p0 $0x1  }
0x13: {  	[smem:$0x3FA9] =	sst s0;
	s0 =	simm.s32 @!p1 $0x0  }
0x14: {  	s2 =	sld [smem:$0x3F8D];
	s0 =	simm.s32 @p1 $0x1  }
0x15: {  	[smem:$0x3FAA] =	sst s0;
	s0 =	simm.s32 @!p2 $0x0  }
0x16: {  	s3 =	sld [smem:$0x3FDB];
	s0 =	simm.s32 @p2 $0x1  }
0x17: {  	s4 =	simm.s32 $0x1BF5;
	[smem:$0x3FAC] =	sst s0  }
0x18: {  	s0 =	sld [smem:$0x3F8F];
	_ =	swait.ge [sflag:s4], $0x0  }
0x19: {  	s7 =	sld [smem:$0x3F90]  }
0x1a: {  	s8 =	sadd.s32 $0xFFFFE003, lr  }
0x1b: {  	s9 =	sadd.s32 $0xFFFFFEF7, lr;
	s5 =	simm.s32 $0xFFFFFFFF;
	p2 =	slt.u32 s8, $0xFFFFF086  }
0x1c: {  	p1 =	slt.u32 s9, $0xF7A;
	s5 =	simm.s32 @!p2 $0x0  }
0x1d: {  	s5 =	simm.s32 @p1 $0x1;
	p0 =	seq.s32 s7, s2  }
0x1e: {  	s7 =	smul.u32 @!p0 $0xF7A, s2;
	p2 =	seq.s32 @!p0 s5, $0x0  }
0x1f: {  	s9 =	smul.u32 $0xF7A, s1;
	s8 =	simm.s32 @!p0 $0x1BF5;
	p2 =	por !p2, p0  }
0x20: {  	[sflag:s8] =	ssyncset.s32 @!p0 $0xFFFFF086;
	s6 =	sadd.s32 @!p0 s3, s7;
	s7 =	simm.s32 @!p0 $0x108  }
0x21: {  	s3 =	sadd.s32 s3, s9;
	s6 =	sadd.s32 @!p0 $0x88, s6;
	s7 =	simm.s32 @p2 $0x1082  }
0x22: {  	[simem:s7], [sflag:s8] =	dma.local @!p0 [hbm:s6], $0xF7A  }
0x23: {  	s9 =	sor.u32 $0xD0000000, s2;
	s6 =	simm.s32 $0x108;
	_ =	swait.ge @!p0 [sflag:s8], $0x0  }
0x24: {  	s3 =	sadd.s32 $0x88, s3;
	s6 =	simm.s32 @!p1 $0x1082;
	[sflag:s4] =	ssyncset.s32 $0xFFFFF086  }
0x25: {  	[simem:s6], [sflag:s4] =	dma.local [hbm:s3], $0xF7A  }
0x26: {  	[smem:$0x3F90] =	sst s1;
	(tag) =	ssettag s2;
	_ =	strace s9  }
0x27: {  	s1 =	sld [smem:$0x3FA0]  }
0x28: {  	s2 =	sld [smem:$0x3FA1]  }
0x29: {  	s4 =	sld [smem:$0x3FA3]  }
0x2a: {  	p0 =	seq.s32 s5, $0x0;
	s5 =	sld [smem:$0x3FA4]  }
0x2b: {  	s6 =	sld [smem:$0x3FA5]  }
0x2c: {  	s7 =	sld [smem:$0x3FA6]  }
0x2d: {  	s3 =	simm.s32 $0x108;
	s8 =	sld [smem:$0x3FA7]  }
0x2e: {  	s3 =	simm.s32 @!p0 $0x1082;
	s9 =	sld [smem:$0x3FA8]  }
0x2f: {  	lr =	sadd.s32 s0, s3;
	s0 =	sld [smem:$0x3F9F]  }
0x30: {  	s3 =	sld [smem:$0x3FA2]  }
0x31: {  	[smem:$0x3FAB] =	sst s10  }
0x32: {  	s10 =	sld [smem:$0x3FA9];
	_ =	sdelay $0x3  }
0x33: {  	p0 =	seq.s32 s10, $0x1;
	s10 =	sld [smem:$0x3FAB];
	_ =	sdelay $0x3  }
0x34: {  	[smem:$0x3FAB] =	sst s10  }
0x35: {  	s10 =	sld [smem:$0x3FAA];
	_ =	sdelay $0x3  }
0x36: {  	p1 =	seq.s32 s10, $0x1;
	s10 =	sld [smem:$0x3FAB];
	_ =	sdelay $0x3  }
0x37: {  	[smem:$0x3FAB] =	sst s10  }
0x38: {  	s10 =	sld [smem:$0x3FAC]  }
0x39: {  	_ = 	snop;
	(pc) =	sbr.ind lr, $3  }
0x3a: {  	_ = 	snop  }
0x3b: {  	_ = 	snop  }
0x3c: {  	p2 =	seq.s32 s10, $0x1;
	s10 =	sld [smem:$0x3FAB]  }
0x3d: {  	_ =	shalt  }
0x3e: {  	_ =	shalt  }
0x3f: {  	_ =	shalt  }
0x40: {  	_ =	shalt  }
0x41: {  	_ =	shalt  }
0x42: {  	_ =	shalt  }
0x43: {  	_ =	shalt  }
0x44: {  	_ =	shalt  }
0x45: {  	_ =	shalt  }
0x46: {  	_ =	shalt  }
0x47: {  	_ =	shalt  }
0x48: {  	_ =	shalt  }
0x49: {  	_ =	shalt  }
0x4a: {  	_ =	shalt  }
0x4b: {  	_ =	shalt  }
0x4c: {  	_ =	shalt  }
0x4d: {  	_ =	shalt  }
0x4e: {  	_ =	shalt  }
0x4f: {  	_ =	shalt  }
0x50: {  	_ =	shalt  }
0x51: {  	_ =	shalt  }
0x52: {  	_ =	shalt  }
0x53: {  	_ =	shalt  }
0x54: {  	_ =	shalt  }
0x55: {  	_ =	shalt  }
0x56: {  	_ =	shalt  }
0x57: {  	_ =	shalt  }
0x58: {  	_ =	shalt  }
0x59: {  	_ =	shalt  }
0x5a: {  	_ =	shalt  }
0x5b: {  	_ =	shalt  }
0x5c: {  	_ =	shalt  }
0x5d: {  	_ =	shalt  }
0x5e: {  	_ =	shalt  }
0x5f: {  	_ =	shalt  }
0x60: {  	_ =	shalt  }
0x61: {  	_ =	shalt  }
0x62: {  	_ =	shalt  }
0x63: {  	_ =	shalt  }
0x64: {  	_ =	shalt  }
0x65: {  	_ =	shalt  }
0x66: {  	_ =	shalt  }
0x67: {  	_ =	shalt  }
0x68: {  	_ =	shalt  }
0x69: {  	_ =	shalt  }
0x6a: {  	_ =	shalt  }
0x6b: {  	_ =	shalt  }
0x6c: {  	_ =	shalt  }
0x6d: {  	_ =	shalt  }
0x6e: {  	_ =	shalt  }
0x6f: {  	_ =	shalt  }
0x70: {  	_ =	shalt  }
0x71: {  	_ =	shalt  }
0x72: {  	_ =	shalt  }
0x73: {  	_ =	shalt  }
0x74: {  	_ =	shalt  }
0x75: {  	_ =	shalt  }
0x76: {  	_ =	shalt  }
0x77: {  	_ =	shalt  }
0x78: {  	_ =	shalt  }
0x79: {  	_ =	shalt  }
0x7a: {  	_ =	shalt  }
0x7b: {  	_ =	shalt  }
0x7c: {  	_ =	shalt  }
0x7d: {  	_ =	shalt  }
0x7e: {  	_ =	shalt  }
0x7f: {  	_ =	shalt  }
0x80: {  	_ =	shalt  }
0x81: {  	_ =	shalt  }
0x82: {  	_ =	shalt  }
0x83: {  	_ =	shalt  }
0x84: {  	_ =	shalt  }
0x85: {  	_ =	shalt  }
0x86: {  	_ =	shalt  }
0x87: {  	_ =	shalt  }
.Lfunc_end0:
.L_simem_size_0:
called_computation_lowered:
.L_overlay_start_0:
0x88: {  	s2 =	sld [smem:$0x3FD9]  }
0x89: {  	s3 =	sld [smem:$0x3FFE];
	_ =	sdelay $0x1  }
0x8a: {  	s1 =	srdreg.scid  }
0x8b: {  	s0 =	sand.u32 $0x1, s1  }
0x8c: {  	s17 =	sshll.u32 s0, $0xA;
	s2 =	sadd.s32 s3, s2  }
0x8d: {  	s2 =	sadd.s32 s2, s17  }
0x8e: {  	[smem:$0x3FB7] =	sst s2  }
0x8f: {  	_ = 	snop  }
0x90: {  	s18 =	sld [smem:$0x3FD0];
	(tm) =	ssettm $0x1  }
0x91: {  	s19 =	sld [smem:$0x3FFB];
	_ =	sdelay $0x3  }
0x92: {  	_ =	strace s19  }
0x93: {  	s2 =	sld [smem:$0x3FFC];
	_ =	sdelay $0x3  }
0x94: {  	_ =	strace s2  }
0x95: {  	s2 =	sld [smem:$0x3FFD];
	_ =	sdelay $0x3  }
0x96: {  	_ =	strace s2  }
0x97: {  	_ =	strace $0x8FFFFFFF  }
0x98: {  	s20 =	sld [smem:$0x3FDB];
	_ =	sdelay $0x1  }
0x99: {  	s4 =	simm.s32 $_scs_section_size  }
0x9a: {  	s5 =	simm.s32 $_size__tile_overlayer_lowered;
	s6 =	simm.s32 $_tile_overlayer_lowered  }
0x9b: {  	s7 =	simm.s32 $0x1BFF;
	s21 =	sshll.u32 s6, $0x1;
	s4 =	sadd.s32 s4, s20  }
0x9c: {  	s22 =	simm.s32 $0x0;
	s5 =	sshll.u32 s5, $0x1;
	s6 =	sadd.s32 s21, s4  }
0x9d: {  	[timem:s22], [sflag:s7] =	dma.local [hbm:s6], s5  }
0x9e: {  	_ =	swait.ge [sflag:s7], s5  }
0x9f: {  	s5 =	ssub.s32 $0x0, s5;
	[sflag:s7] =	ssyncset.done $0x0  }
0xa0: {  	[sflag:s7] =	ssyncadd.s32 s5;
	_ =	sdelay $0x1  }
0xa1: {  	s23 =	simm.s32 $0x1B8B  }
0xa2: {  	_ =	swait.ge [sflag:s23], $0x1  }
0xa3: {  	[sflag:s23] =	ssyncset.done $0x0  }
0xa4: {  	[sflag:s23] =	ssyncadd.s32 $0xFFFFFFFF  }
0xa5: {  	s5 =	sld [smem:$0x0]  }
0xa6: {  	s6 =	sand.u32 $0xFFFFFFFE, s1  }
0xa7: {  	p0 =	sne.s32 s1, s6  }
0xa8: {  	s6 =	sshll.u32 @p0 s6, $0xE  }
0xa9: {  	s6 =	sadd.s32 @p0 $0x11B8D, s6;
	s7 =	sshll.u32 @p0 s5, $0x11  }
0xaa: {  	s6 =	sor.u32 @p0 s7, s6  }
0xab: {  	[sflag:s6] =	ssyncadd.remote.s32 @p0 $0x1;
	_ =	sdelay $0x1  }
0xac: {  	s6 =	simm.s32 @p0 $0x1B8D  }
0xad: {  	_ =	swait.eq @p0 [sflag:s6], $0x1  }
0xae: {  	[sflag:s6] =	ssyncadd.s32 @p0 $0xFFFFFFFF  }
0xaf: {  	s7 =	sshll.u32 @!p0 s1, $0xE  }
0xb0: {  	s7 =	sor.u32 @!p0 $0x4000, s7;
	s6 =	simm.s32 @!p0 $0x1B8D  }
0xb1: {  	s5 =	sshll.u32 @!p0 s5, $0x11;
	s7 =	sadd.s32 @!p0 $0x11B8D, s7;
	_ =	swait.eq @!p0 [sflag:s6], $0x1  }
0xb2: {  	s5 =	sor.u32 @!p0 s5, s7;
	[sflag:s6] =	ssyncadd.s32 @!p0 $0xFFFFFFFF  }
0xb3: {  	s25 =	simm.s32 $0x1B8E;
	s24 =	sld [smem:$0x3FFE];
	[sflag:s5] =	ssyncadd.remote.s32 @!p0 $0x1  }
0xb4: {  	s26 =	simm.s32 $execute0_lowered;
	[smem:$0x3FD2] =	sst s25  }
0xb5: {  	s6 =	sshll.u32 s26, $0x1;
	_ =	strace $0x80000049;
	[dreg:$0x1] =	wrdreg $0xFFFFFFFF  }
0xb6: {  	s28 =	simm.s32 $_size_execute0_lowered;
	s4 =	sadd.s32 s4, s6;
	[dreg:$0x0] =	wrdreg $0x0  }
0xb7: {  	s6 =	sshll.u32 s28, $0x1;
	[dreg:$0x2] =	wrdreg s4  }
0xb8: {  	[dreg:$0x3] =	wrdreg s6  }
0xb9: {  	[dreg:$0x4] =	wrdreg $0xC0  }
0xba: {  	_ =	task [dreg:s22], $0x5FFFF  }
0xbb: {  	[dreg:$0x1] =	wrdreg $0xFFFFFFFF  }
0xbc: {  	[dreg:$0x0] =	wrdreg $0x60  }
0xbd: {  	[dreg:$0x2] =	wrdreg s18  }
0xbe: {  	[dreg:$0x3] =	wrdreg s24  }
0xbf: {  	[dreg:$0x4] =	wrdreg $0x0  }
0xc0: {  	[dreg:$0x5] =	wrdreg $0x9  }
0xc1: {  	_ =	task.clear_ibuf [dreg:s22], $0x6FFFF;
	_ =	strace $0x90000049  }
0xc2: {  	s29 =	simm.s32 $0x9;
	_ =	strace $0x8000004B  }
0xc3: {  	_ =	swait.ge [sflag:s29], $0x1  }
0xc4: {  	[sflag:s29] =	ssyncadd.s32 $0xFFFFFFFF  }
0xc5: {  	_ =	strace $0x9000004B  }
0xc6: {  	_ =	sfence  }
0xc7: {  	s30 =	sld [smem:$0x0];
	_ =	sdelay $0x2  }
0xc8: {  	s31 =	sshll.u32 s1, $0xD;
	s1 =	sshrl.u32 s1, $0x2  }
0xc9: {  	s4 =	sand.u32 $0x4000, s31;
	s1 =	sadd.s32 s1, s30  }
0xca: {  	s0 =	sor.u32 s4, s0;
	s1 =	sshll.u32 s1, $0x11  }
0xcb: {  	s0 =	sor.u32 s1, s0  }
0xcc: {  	s0 =	sadd.s32 $0x8F2B, s0  }
0xcd: {  	[sflag:s0] =	ssyncadd.remote.s32 $0x1  }
0xce: {  	_ =	sfence.sel $0xFFFF  }
0xcf: {  	[dreg:$0x0] =	wrdreg $0xFFFFFFFF;
	(pc) =	sbr.abs _section_cstart, $3  }
0xd0: {  	[dreg:$0x1] =	wrdreg $0xFFFFFFFF  }
0xd1: {  	_ =	task.clear_ibuf [dreg:s22], $0x2FFFF;
	_ =	strace $0x9FFFFFFF  }
0xd2: {  	(tm) =	ssettm $0x7FFFFFFF  }
0xd3: {  	_ =	shalt  }
tec
execute0_lowered:
.L_overlay_start_1:
0x0: {  	(tag) =	ssettag $0x1  }
0x1: {  	s7 =	rddreg [dreg:$0x0]  }
0x2: {  	s6 =	rddreg [dreg:$0x1];
	s0 =	srdreg.scid  }
0x3: {  	s2 =	rddreg [dreg:$0x2];
	s1 =	stileid.u32  }
0x4: {  	s3 =	simm.s32 $0x0;
	s13 =	simm.s32 $0x13C00;
	s14 =	simm.s32 $0x80  }
0x5: {  	s15 =	simm.s32 $0x1;
	s8 =	sand.u32 $0x1, s0;
	s0 =	rddreg [dreg:$0x3]  }
0x6: {  	s16 =	simm.s32 $0x0;
	s9 =	smul.u32 $0x13C00, s1;
	[smem:$0x7FF] =	sst s3  }
0x7: {  	s4 =	sadd.s32 $0x36800, s6;
	s11 =	smul.u32 $0x4F000, s1;
	s31 =	sshll.u32 s1, $0x6  }
0x8: {  	s5 =	smul.u32 $0x13C000, s8;
	s10 =	sshll.u32 s8, $0x4;
	s8 =	ssub.s32 $0x2, s8  }
0x9: {  	_ =	strace $0x8000004A;
	s10 =	sor.u32 s1, s10;
	s29 =	sshrl.u32 s8, $0x1  }
0xa: {  	s30 =	sshrl.u32 s11, $0x2;
	s9 =	sadd.s32 s9, s5;
	s5 =	sadd.s32 $0x88000, s6  }
0xb: {  	s10 =	smul.u32 $0x500, s10;
	s12 =	ssub.s32 s8, s29;
	s9 =	sshrl.u32 s9, $0x3  }
0xc: {  	s11 =	sadd.s32 s30, s2;
	s9 =	sadd.s32 s9, s6;
	s6 =	sor.u32 $0x1C02, s31  }
0xd: {  	s7 =	sadd.s32 s7, s10;
	s10 =	sshrl.u32 s11, $0x3;
	s11 =	simm.s32 $0x2  }
0xe: {  	s8 =	sadd.s32 $0x88800, s9;
	s9 =	smax.u32 s12, $0x1;
	s12 =	simm.s32 $0x16400  }
.LBB2_1:
0xf: {  	[spmem:s10], [sflag:s6] =	dma.local [hbm:s4], $0x2780  }
0x10: {  	_ =	swait.ge [sflag:s11], $0x2780  }
0x11: {  	[sflag:s11] =	ssyncset.done $0x0  }
0x12: {  	[sflag:s11] =	ssyncadd.s32 $0xFFFFD880  }
0x13: {  	[tilespmem:s12], [sflag:$0x2] =	stream.linear.gather [hbm4b:s5+s3], $0x4000, $0x38;
	[tilespmem:$0x1A400] =	vst v63  }
0x14: {  	_ =	swait.ge [sflag:s11], $0x4000  }
0x15: {  	[sflag:s11] =	ssyncset.done $0x0  }
0x16: {  	[sflag:s11] =	ssyncadd.s32 $0xFFFFC000  }
0x17: {  	[tilespmem:s13], [sflag:$0x2] =	stream.linear.gather [hbm4b:s7+s3], $0x2780, $0x38;
	[tilespmem:$0x1A400] =	vst v63  }
0x18: {  	_ =	swait.ge [sflag:s11], $0x2780  }
0x19: {  	[sflag:s11] =	ssyncset.done $0x0  }
0x1a: {  	[sflag:s11] =	ssyncadd.s32 $0xFFFFD880  }
0x1b: {  	s17 =	simm.s32 $0x13C00;
	[bflag:$0x0] =	sbarrier.arrive $0xFFFF  }
0x1c: {  	[spmem:s2] =	stream.indirect.scatter.add.f32 [tilespmem:s12], [sflag:$0x1], $0x80, s17, s14, $0xb8;
	[tilespmem:$0x1A400] =	vst v63  }
0x1d: {  	s17 =	simm.s32 $0x200;
	_ =	swait.ge [sflag:s15], $0x4000  }
.LBB2_2:
0x1e: {  	s18 =	sshra.s32 s17, $0x2;
	[sflag:s15] =	ssyncset.done $0x0;
	p0 =	sne.s32 s17, $0x9C00  }
.Ltmp0:
0x1f: {  	s18 =	sadd.s32 $0x13C00, s18;
	[sflag:s15] =	ssyncadd.s32 $0xFFFFC000;
	(pc) =	sbr.rel @p0 .LBB2_2-.Ltmp0, $3  }
0x20: {  	[spmem:s2] =	stream.indirect.scatter.add.f32 [tilespmem:s12], [sflag:$0x1], $0x80, s18, s14, $0xb8;
	[tilespmem:$0x1A400] =	vst v63  }
0x21: {  	s17 =	sadd.s32 $0x200, s17;
	_ =	sdelay $0x1  }
0x22: {  	_ =	swait.ge [sflag:s15], $0x4000  }
0x23: {  	[sflag:s15] =	ssyncset.done $0x0;
	s16 =	sadd.s32 $0x1, s16  }
0x24: {  	[sflag:s15] =	ssyncadd.s32 $0xFFFFC000;
	p0 =	sne.s32 s16, s9  }
.Ltmp1:
0x25: {  	[bflag:$0x0] =	sbarrier.arrive $0xFFFF;
	(pc) =	sbr.rel @p0 .LBB2_1-.Ltmp1, $4  }
0x26: {  	[hbm:s8], [sflag:s6] =	dma.local [spmem:s10], $0x2780  }
0x27: {  	_ =	swait.ge [sflag:s11], $0x2780  }
0x28: {  	[sflag:s11] =	ssyncset.done $0x0  }
0x29: {  	[sflag:s11] =	ssyncadd.s32 $0xFFFFD880  }
0x2a: {  	_ =	sfence.sel $0x180000  }
0x2b: {  	[bflag:$0x0] =	sbarrier.arrive $0xFFFF  }
0x2c: {  	p0 =	sne.s32 s1, $0x0;
	_ =	strace $0x9000004A  }
0x2d: {  	s0 =	sadd.s32 @!p0 $0x100000, s0;
	[bflag:$0x2] =	sbarrier.arrive $0xFFFF  }
0x2e: {  	[sflag:s0] =	ssyncadd.tile.s32 @!p0 $0x1;
	_ =	shalt  }
.Lfunc_end2:
_tile_overlayer_lowered:
.L_overlay_start_2:
0x2f: {  	(tag) =	ssettag $0x2  }
0x30: {  	s0 =	rddreg [dreg:$0x0];
	s2 =	stileid.u32  }
0x31: {  	s1 =	rddreg [dreg:$0x1];
	p0 =	sne.s32 s2, $0x0  }
0x32: {  	s3 =	rddreg [dreg:$0x2];
	[bflag:$0x3] =	sbarrier.arrive $0xFFFF;
	s2 =	simm.s32 @!p0 $0x1C02  }
0x33: {  	[timem:s3], [sflag:s2] =	dma.local @!p0 [hbm:s0], s1  }
0x34: {  	s0 =	simm.s32 @!p0 $0x2  }
0x35: {  	_ =	swait.ge @!p0 [sflag:s0], s1  }
0x36: {  	s1 =	ssub.s32 @!p0 $0x0, s1;
	[sflag:s0] =	ssyncset.done @!p0 $0x0  }
0x37: {  	[sflag:s0] =	ssyncadd.s32 @!p0 s1  }
0x38: {  	[bflag:$0x3] =	sbarrier.arrive $0xFFFF  }
0x39: {  	_ =	shalt  }

</sc_bundles>
